<compile_context>
chip_gen: v7x
topology: tpu7x:2x2x1
jax: 0.10.2.dev20260603
libtpu: 0.0.44.dev20260713+nightly
codegen_flags: <defaults>
</compile_context>

<pallas_src>
import functools

import jax
import jax.numpy as jnp
from jax import lax
from jax.experimental import pallas as pl
from jax.experimental.pallas import tpu as pltpu
from jax.experimental.pallas import tpu_sc as plsc

NUM_CORES = 2
NUM_SUBCORES = 16
NUM_WORKERS = NUM_CORES * NUM_SUBCORES
CHUNK = 56


def _emb_body(chunks, per_w, w_per_row, ids_hbm, table_hbm, out_hbm, idx_v,
              rows0, rows1, g0, g1):
    wid = lax.axis_index("s") * NUM_CORES + lax.axis_index("c")
    bi = wid // w_per_row
    col0 = (wid % w_per_row) * per_w
    pltpu.sync_copy(ids_hbm.at[bi, pl.ds(col0, per_w)], idx_v)
    rows, gsem = (rows0, rows1), (g0, g1)
    n_chunks = len(chunks)
    offs = [sum(chunks[:j]) for j in range(n_chunks)]

    def gather(j, p):
        return pltpu.async_copy(
            table_hbm.at[idx_v.at[pl.ds(offs[j], chunks[j])]],
            rows[p].at[pl.ds(0, chunks[j])], gsem[p])

    gd = [None] * n_chunks
    gd[0] = gather(0, 0)
    for j in range(n_chunks):
        p = j % 2
        if j + 1 < n_chunks:
            gd[j + 1] = gather(j + 1, (j + 1) % 2)
        gd[j].wait()
        pltpu.sync_copy(rows[p].at[pl.ds(0, chunks[j])],
                        out_hbm.at[bi, pl.ds(col0 + offs[j], chunks[j])])


def kernel(input_ids, word_embeddings):
    b, s = input_ids.shape
    v, d = word_embeddings.shape
    n = b * s
    assert n % NUM_WORKERS == 0
    per_w = n // NUM_WORKERS
    w_per_row = s // per_w
    full, rem = divmod(per_w, CHUNK)
    chunks = [CHUNK] * full + ([rem] if rem else [])

    mesh = plsc.VectorSubcoreMesh(core_axis_name="c", subcore_axis_name="s")
    emb = functools.partial(
        pl.kernel,
        out_type=jax.ShapeDtypeStruct((b, s, d), jnp.float32),
        mesh=mesh,
        scratch_types=[
            pltpu.VMEM((per_w,), jnp.int32),
            pltpu.VMEM((CHUNK, d), jnp.float32),
            pltpu.VMEM((CHUNK, d), jnp.float32),
            pltpu.SemaphoreType.DMA,
            pltpu.SemaphoreType.DMA,
        ],
    )(functools.partial(_emb_body, chunks, per_w, w_per_row))
    return emb(input_ids.astype(jnp.int32), word_embeddings)

# --- scband reference (transcript-rebuilt; emitter-appended) ---
"""Pipeline reference for scband-embedding-2886218023359 (READ-ONLY COPY).

The authoritative reference and input builder live on the scoring server;
editing this copy changes nothing except your own understanding.
"""

import jax, jax.numpy as jnp
import numpy as np

VOCAB = 100000
HIDDEN = 1024
BATCH = 4
SEQ = 4096

def setup_inputs(seed: int = 0) -> dict:
    key = jax.random.key(seed)
    k1, k2 = jax.random.split(key)
    input_ids = jax.random.randint(k1, (BATCH, SEQ), 0, VOCAB, dtype=jnp.int64)
    word_embeddings = jax.random.normal(k2, (VOCAB, HIDDEN), dtype=jnp.float32) * 0.02
    return {"input_ids": input_ids, "word_embeddings": word_embeddings}

def reference(input_ids, word_embeddings):
    # embeddings = self.word_embeddings(input_ids)
    embeddings = jnp.take(word_embeddings, input_ids, axis=0)
    # fp32_residual_connection is False -> no cast needed (already float32)
    return embeddings

if __name__ == "__main__":
    import jax
    _d = setup_inputs()
    print(jax.jit(kernel)(*tuple(_d.values())))

</pallas_src>

<mosaic_0001>
#map = affine_map<(d0, d1) -> (0, 0)>
#map1 = affine_map<(d0, d1) -> (0, 0, 0)>
module attributes {stable_mosaic.version = 14 : i64} {
  func.func @_emb_body(%arg0: i32, %arg1: i32, %arg2: memref<4x4096xi32, #tpu.memory_space<hbm>>, %arg3: memref<100000x1024xf32, #tpu.memory_space<hbm>>, %arg4: memref<4x4096x1024xf32, #tpu.memory_space<hbm>>, %arg5: memref<512xi32, #tpu.memory_space<vmem>>, %arg6: memref<56x1024xf32, #tpu.memory_space<vmem>>, %arg7: memref<56x1024xf32, #tpu.memory_space<vmem>>, %arg8: memref<!tpu.dma_semaphore, #tpu.memory_space<semaphore_mem>>, %arg9: memref<!tpu.dma_semaphore, #tpu.memory_space<semaphore_mem>>) attributes {dimension_semantics = [#tpu.dimension_semantics<core_parallel>, #tpu.dimension_semantics<subcore_parallel>], iteration_bounds = array<i64: 2, 16>, scalar_prefetch = 0 : i64, scratch_operands = 5 : i64, tpu.core_type = #tpu.core_type<sc_vector_subcore>, window_params = [{transform_indices = #map}, {transform_indices = #map}, {transform_indices = #map1}]} {
    %mul3A = arith.constant 2 : i32
    %mul3A_0 = arith.muli %arg1, %mul3A : i32
    %add3A = arith.addi %mul3A_0, %arg0 : i32
    %jit3A = arith.constant 8 : i32
    %div3A = arith.divsi %add3A, %jit3A : i32
    %sign3A = arith.constant 0 : i32
    %sign3A_1 = arith.cmpi sgt, %add3A, %sign3A : i32
    %sign3A_2 = arith.extui %sign3A_1 : i1 to i32
    %sign3A_3 = arith.constant 0 : i32
    %sign3A_4 = arith.cmpi slt, %add3A, %sign3A_3 : i32
    %sign3A_5 = arith.extui %sign3A_4 : i1 to i32
    %sign3A_6 = arith.subi %sign3A_2, %sign3A_5 : i32
    %sign3A_7 = arith.constant 0 : i32
    %sign3A_8 = arith.cmpi sgt, %jit3A, %sign3A_7 : i32
    %sign3A_9 = arith.extui %sign3A_8 : i1 to i32
    %sign3A_10 = arith.constant 0 : i32
    %sign3A_11 = arith.cmpi slt, %jit3A, %sign3A_10 : i32
    %sign3A_12 = arith.extui %sign3A_11 : i1 to i32
    %sign3A_13 = arith.subi %sign3A_9, %sign3A_12 : i32
    %ne3A = arith.cmpi ne, %sign3A_6, %sign3A_13 : i32
    %rem3A = arith.remsi %add3A, %jit3A : i32
    %ne3A_14 = arith.constant 0 : i32
    %ne3A_15 = arith.cmpi ne, %rem3A, %ne3A_14 : i32
    %and3A = arith.andi %ne3A, %ne3A_15 : i1
    %sub3A = arith.constant 1 : i32
    %sub3A_16 = arith.subi %div3A, %sub3A : i32
    %select_n3A = arith.select %and3A, %sub3A_16, %div3A : i32
    %jit3A_17 = arith.constant 8 : i32
    %eq3A = arith.constant 0 : i32
    %eq3A_18 = arith.cmpi eq, %jit3A_17, %eq3A : i32
    %jit3A_19 = arith.constant 1 : i32
    %select_n3A_20 = arith.select %eq3A_18, %jit3A_19, %jit3A_17 : i32
    %rem3A_21 = arith.remsi %add3A, %select_n3A_20 : i32
    %ne3A_22 = arith.constant 0 : i32
    %ne3A_23 = arith.cmpi ne, %rem3A_21, %ne3A_22 : i32
    %lt3A = arith.constant 0 : i32
    %lt3A_24 = arith.cmpi slt, %rem3A_21, %lt3A : i32
    %lt3A_25 = arith.constant 0 : i32
    %lt3A_26 = arith.cmpi slt, %select_n3A_20, %lt3A_25 : i32
    %ne3A_27 = arith.xori %lt3A_24, %lt3A_26 : i1
    %and3A_28 = arith.andi %ne3A_27, %ne3A_23 : i1
    %add3A_29 = arith.addi %rem3A_21, %select_n3A_20 : i32
    %select_n3A_30 = arith.select %and3A_28, %add3A_29, %rem3A_21 : i32
    %mul3A_31 = arith.constant 512 : i32
    %mul3A_32 = arith.muli %select_n3A_30, %mul3A_31 : i32
    "tpu.region"() ({
      %run_scoped3A = tpu.sem_alloc : memref<!tpu.dma_semaphore, #tpu.memory_space<semaphore_mem>>
      %dma_start3A_211 = tpu.memref_slice %arg2[%select_n3A, %mul3A_32] : memref<4x4096xi32, #tpu.memory_space<hbm>> -> memref<1x512xi32, #tpu.memory_space<hbm>>
      %dma_start3A_212 = tpu.memref_squeeze %dma_start3A_211 : memref<1x512xi32, #tpu.memory_space<hbm>> -> memref<512xi32, #tpu.memory_space<hbm>>
      %dma_start3A_213 = tpu.memref_slice %arg2[%select_n3A, %mul3A_32] : memref<4x4096xi32, #tpu.memory_space<hbm>> -> memref<1x512xi32, #tpu.memory_space<hbm>>
      %dma_start3A_214 = tpu.memref_squeeze %dma_start3A_213 : memref<1x512xi32, #tpu.memory_space<hbm>> -> memref<512xi32, #tpu.memory_space<hbm>>
      tpu.enqueue_dma source(%dma_start3A_214 : memref<512xi32, #tpu.memory_space<hbm>>) target(%arg5 : memref<512xi32, #tpu.memory_space<vmem>>) target_semaphore(%run_scoped3A : memref<!tpu.dma_semaphore, #tpu.memory_space<semaphore_mem>>)
      %dma_wait3A_215 = tpu.memref_slice %arg2[%select_n3A, %mul3A_32] : memref<4x4096xi32, #tpu.memory_space<hbm>> -> memref<1x512xi32, #tpu.memory_space<hbm>>
      %dma_wait3A_216 = tpu.memref_squeeze %dma_wait3A_215 : memref<1x512xi32, #tpu.memory_space<hbm>> -> memref<512xi32, #tpu.memory_space<hbm>>
      %dma_wait3A_217 = tpu.memref_slice %arg2[%select_n3A, %mul3A_32] : memref<4x4096xi32, #tpu.memory_space<hbm>> -> memref<1x512xi32, #tpu.memory_space<hbm>>
      %dma_wait3A_218 = tpu.memref_squeeze %dma_wait3A_217 : memref<1x512xi32, #tpu.memory_space<hbm>> -> memref<512xi32, #tpu.memory_space<hbm>>
      tpu.wait_dma2 semaphore(%run_scoped3A : memref<!tpu.dma_semaphore, #tpu.memory_space<semaphore_mem>>) src(%dma_wait3A_218 : memref<512xi32, #tpu.memory_space<hbm>>) dst(%arg5 : memref<512xi32, #tpu.memory_space<vmem>>)
      tpu.yield
    }) : () -> ()
    %dma_start3A = arith.constant 0 : i32
    %dma_start3A_33 = arith.constant 0 : i32
    %dma_start3A_34 = tpu.memref_slice %arg6[%dma_start3A, %dma_start3A_33] : memref<56x1024xf32, #tpu.memory_space<vmem>> -> memref<56x1024xf32, #tpu.memory_space<vmem>>
    %dma_start3A_35 = arith.constant 0 : i32
    %dma_start3A_36 = tpu.memref_slice %arg5[%dma_start3A_35] : memref<512xi32, #tpu.memory_space<vmem>> -> memref<56xi32, #tpu.memory_space<vmem>>
    %dma_start3A_37 = arith.constant 0 : i32
    %dma_start3A_38 = arith.constant 0 : i32
    %dma_start3A_39 = tpu.memref_slice %arg3[%dma_start3A_37, %dma_start3A_38] : memref<100000x1024xf32, #tpu.memory_space<hbm>> -> memref<100000x1024xf32, #tpu.memory_space<hbm>>
    tpu.enqueue_indirect_dma source(%dma_start3A_39 : memref<100000x1024xf32, #tpu.memory_space<hbm>>) target(%dma_start3A_34 : memref<56x1024xf32, #tpu.memory_space<vmem>>) offsets(%dma_start3A_36 : memref<56xi32, #tpu.memory_space<vmem>>) semaphore(%arg8 : memref<!tpu.dma_semaphore, #tpu.memory_space<semaphore_mem>>)
    %dma_start3A_40 = arith.constant 0 : i32
    %dma_start3A_41 = arith.constant 0 : i32
    %dma_start3A_42 = tpu.memref_slice %arg7[%dma_start3A_40, %dma_start3A_41] : memref<56x1024xf32, #tpu.memory_space<vmem>> -> memref<56x1024xf32, #tpu.memory_space<vmem>>
    %dma_start3A_43 = arith.constant 56 : i32
    %dma_start3A_44 = tpu.memref_slice %arg5[%dma_start3A_43] : memref<512xi32, #tpu.memory_space<vmem>> -> memref<56xi32, #tpu.memory_space<vmem>>
    %dma_start3A_45 = arith.constant 0 : i32
    %dma_start3A_46 = arith.constant 0 : i32
    %dma_start3A_47 = tpu.memref_slice %arg3[%dma_start3A_45, %dma_start3A_46] : memref<100000x1024xf32, #tpu.memory_space<hbm>> -> memref<100000x1024xf32, #tpu.memory_space<hbm>>
    tpu.enqueue_indirect_dma source(%dma_start3A_47 : memref<100000x1024xf32, #tpu.memory_space<hbm>>) target(%dma_start3A_42 : memref<56x1024xf32, #tpu.memory_space<vmem>>) offsets(%dma_start3A_44 : memref<56xi32, #tpu.memory_space<vmem>>) semaphore(%arg9 : memref<!tpu.dma_semaphore, #tpu.memory_space<semaphore_mem>>)
    %dma_wait3A = arith.constant 0 : i32
    %dma_wait3A_48 = arith.constant 0 : i32
    %dma_wait3A_49 = tpu.memref_slice %arg6[%dma_wait3A, %dma_wait3A_48] : memref<56x1024xf32, #tpu.memory_space<vmem>> -> memref<56x1024xf32, #tpu.memory_space<vmem>>
    %dma_wait3A_50 = arith.constant 0 : i32
    %dma_wait3A_51 = tpu.memref_slice %arg5[%dma_wait3A_50] : memref<512xi32, #tpu.memory_space<vmem>> -> memref<56xi32, #tpu.memory_space<vmem>>
    %dma_wait3A_52 = arith.constant 0 : i32
    %dma_wait3A_53 = arith.constant 0 : i32
    %dma_wait3A_54 = tpu.memref_slice %arg3[%dma_wait3A_52, %dma_wait3A_53] : memref<100000x1024xf32, #tpu.memory_space<hbm>> -> memref<100000x1024xf32, #tpu.memory_space<hbm>>
    tpu.wait_indirect_dma semaphore(%arg8 : memref<!tpu.dma_semaphore, #tpu.memory_space<semaphore_mem>>) src(%dma_wait3A_54 : memref<100000x1024xf32, #tpu.memory_space<hbm>>) dst(%dma_wait3A_49 : memref<56x1024xf32, #tpu.memory_space<vmem>>)
    %add3A_55 = arith.constant 0 : i32
    %add3A_56 = arith.addi %mul3A_32, %add3A_55 : i32
    "tpu.region"() ({
      %run_scoped3A = tpu.sem_alloc : memref<!tpu.dma_semaphore, #tpu.memory_space<semaphore_mem>>
      %dma_start3A_211 = arith.constant 0 : i32
      %dma_start3A_212 = arith.constant 0 : i32
      %dma_start3A_213 = tpu.memref_slice %arg6[%dma_start3A_211, %dma_start3A_212] : memref<56x1024xf32, #tpu.memory_space<vmem>> -> memref<56x1024xf32, #tpu.memory_space<vmem>>
      %dma_start3A_214 = arith.constant 0 : i32
      %dma_start3A_215 = tpu.memref_slice %arg4[%select_n3A, %add3A_56, %dma_start3A_214] : memref<4x4096x1024xf32, #tpu.memory_space<hbm>> -> memref<1x56x1024xf32, #tpu.memory_space<hbm>>
      %dma_start3A_216 = tpu.memref_squeeze %dma_start3A_215 : memref<1x56x1024xf32, #tpu.memory_space<hbm>> -> memref<56x1024xf32, #tpu.memory_space<hbm>>
      %dma_start3A_217 = arith.constant 0 : i32
      %dma_start3A_218 = tpu.memref_slice %arg4[%select_n3A, %add3A_56, %dma_start3A_217] : memref<4x4096x1024xf32, #tpu.memory_space<hbm>> -> memref<1x56x1024xf32, #tpu.memory_space<hbm>>
      %dma_start3A_219 = tpu.memref_squeeze %dma_start3A_218 : memref<1x56x1024xf32, #tpu.memory_space<hbm>> -> memref<56x1024xf32, #tpu.memory_space<hbm>>
      %dma_start3A_220 = arith.constant 0 : i32
      %dma_start3A_221 = arith.constant 0 : i32
      %dma_start3A_222 = tpu.memref_slice %arg6[%dma_start3A_220, %dma_start3A_221] : memref<56x1024xf32, #tpu.memory_space<vmem>> -> memref<56x1024xf32, #tpu.memory_space<vmem>>
      tpu.enqueue_dma source(%dma_start3A_222 : memref<56x1024xf32, #tpu.memory_space<vmem>>) target(%dma_start3A_219 : memref<56x1024xf32, #tpu.memory_space<hbm>>) target_semaphore(%run_scoped3A : memref<!tpu.dma_semaphore, #tpu.memory_space<semaphore_mem>>)
      %dma_wait3A_223 = arith.constant 0 : i32
      %dma_wait3A_224 = arith.constant 0 : i32
      %dma_wait3A_225 = tpu.memref_slice %arg6[%dma_wait3A_223, %dma_wait3A_224] : memref<56x1024xf32, #tpu.memory_space<vmem>> -> memref<56x1024xf32, #tpu.memory_space<vmem>>
      %dma_wait3A_226 = arith.constant 0 : i32
      %dma_wait3A_227 = tpu.memref_slice %arg4[%select_n3A, %add3A_56, %dma_wait3A_226] : memref<4x4096x1024xf32, #tpu.memory_space<hbm>> -> memref<1x56x1024xf32, #tpu.memory_space<hbm>>
      %dma_wait3A_228 = tpu.memref_squeeze %dma_wait3A_227 : memref<1x56x1024xf32, #tpu.memory_space<hbm>> -> memref<56x1024xf32, #tpu.memory_space<hbm>>
      %dma_wait3A_229 = arith.constant 0 : i32
      %dma_wait3A_230 = tpu.memref_slice %arg4[%select_n3A, %add3A_56, %dma_wait3A_229] : memref<4x4096x1024xf32, #tpu.memory_space<hbm>> -> memref<1x56x1024xf32, #tpu.memory_space<hbm>>
      %dma_wait3A_231 = tpu.memref_squeeze %dma_wait3A_230 : memref<1x56x1024xf32, #tpu.memory_space<hbm>> -> memref<56x1024xf32, #tpu.memory_space<hbm>>
      %dma_wait3A_232 = arith.constant 0 : i32
      %dma_wait3A_233 = arith.constant 0 : i32
      %dma_wait3A_234 = tpu.memref_slice %arg6[%dma_wait3A_232, %dma_wait3A_233] : memref<56x1024xf32, #tpu.memory_space<vmem>> -> memref<56x1024xf32, #tpu.memory_space<vmem>>
      tpu.wait_dma2 semaphore(%run_scoped3A : memref<!tpu.dma_semaphore, #tpu.memory_space<semaphore_mem>>) src(%dma_wait3A_234 : memref<56x1024xf32, #tpu.memory_space<vmem>>) dst(%dma_wait3A_231 : memref<56x1024xf32, #tpu.memory_space<hbm>>)
      tpu.yield
    }) : () -> ()
    %dma_start3A_57 = arith.constant 0 : i32
    %dma_start3A_58 = arith.constant 0 : i32
    %dma_start3A_59 = tpu.memref_slice %arg6[%dma_start3A_57, %dma_start3A_58] : memref<56x1024xf32, #tpu.memory_space<vmem>> -> memref<56x1024xf32, #tpu.memory_space<vmem>>
    %dma_start3A_60 = arith.constant 112 : i32
    %dma_start3A_61 = tpu.memref_slice %arg5[%dma_start3A_60] : memref<512xi32, #tpu.memory_space<vmem>> -> memref<56xi32, #tpu.memory_space<vmem>>
    %dma_start3A_62 = arith.constant 0 : i32
    %dma_start3A_63 = arith.constant 0 : i32
    %dma_start3A_64 = tpu.memref_slice %arg3[%dma_start3A_62, %dma_start3A_63] : memref<100000x1024xf32, #tpu.memory_space<hbm>> -> memref<100000x1024xf32, #tpu.memory_space<hbm>>
    tpu.enqueue_indirect_dma source(%dma_start3A_64 : memref<100000x1024xf32, #tpu.memory_space<hbm>>) target(%dma_start3A_59 : memref<56x1024xf32, #tpu.memory_space<vmem>>) offsets(%dma_start3A_61 : memref<56xi32, #tpu.memory_space<vmem>>) semaphore(%arg8 : memref<!tpu.dma_semaphore, #tpu.memory_space<semaphore_mem>>)
    %dma_wait3A_65 = arith.constant 0 : i32
    %dma_wait3A_66 = arith.constant 0 : i32
    %dma_wait3A_67 = tpu.memref_slice %arg7[%dma_wait3A_65, %dma_wait3A_66] : memref<56x1024xf32, #tpu.memory_space<vmem>> -> memref<56x1024xf32, #tpu.memory_space<vmem>>
    %dma_wait3A_68 = arith.constant 56 : i32
    %dma_wait3A_69 = tpu.memref_slice %arg5[%dma_wait3A_68] : memref<512xi32, #tpu.memory_space<vmem>> -> memref<56xi32, #tpu.memory_space<vmem>>
    %dma_wait3A_70 = arith.constant 0 : i32
    %dma_wait3A_71 = arith.constant 0 : i32
    %dma_wait3A_72 = tpu.memref_slice %arg3[%dma_wait3A_70, %dma_wait3A_71] : memref<100000x1024xf32, #tpu.memory_space<hbm>> -> memref<100000x1024xf32, #tpu.memory_space<hbm>>
    tpu.wait_indirect_dma semaphore(%arg9 : memref<!tpu.dma_semaphore, #tpu.memory_space<semaphore_mem>>) src(%dma_wait3A_72 : memref<100000x1024xf32, #tpu.memory_space<hbm>>) dst(%dma_wait3A_67 : memref<56x1024xf32, #tpu.memory_space<vmem>>)
    %add3A_73 = arith.constant 56 : i32
    %add3A_74 = arith.addi %mul3A_32, %add3A_73 : i32
    "tpu.region"() ({
      %run_scoped3A = tpu.sem_alloc : memref<!tpu.dma_semaphore, #tpu.memory_space<semaphore_mem>>
      %dma_start3A_211 = arith.constant 0 : i32
      %dma_start3A_212 = arith.constant 0 : i32
      %dma_start3A_213 = tpu.memref_slice %arg7[%dma_start3A_211, %dma_start3A_212] : memref<56x1024xf32, #tpu.memory_space<vmem>> -> memref<56x1024xf32, #tpu.memory_space<vmem>>
      %dma_start3A_214 = arith.constant 0 : i32
      %dma_start3A_215 = tpu.memref_slice %arg4[%select_n3A, %add3A_74, %dma_start3A_214] : memref<4x4096x1024xf32, #tpu.memory_space<hbm>> -> memref<1x56x1024xf32, #tpu.memory_space<hbm>>
      %dma_start3A_216 = tpu.memref_squeeze %dma_start3A_215 : memref<1x56x1024xf32, #tpu.memory_space<hbm>> -> memref<56x1024xf32, #tpu.memory_space<hbm>>
      %dma_start3A_217 = arith.constant 0 : i32
      %dma_start3A_218 = tpu.memref_slice %arg4[%select_n3A, %add3A_74, %dma_start3A_217] : memref<4x4096x1024xf32, #tpu.memory_space<hbm>> -> memref<1x56x1024xf32, #tpu.memory_space<hbm>>
      %dma_start3A_219 = tpu.memref_squeeze %dma_start3A_218 : memref<1x56x1024xf32, #tpu.memory_space<hbm>> -> memref<56x1024xf32, #tpu.memory_space<hbm>>
      %dma_start3A_220 = arith.constant 0 : i32
      %dma_start3A_221 = arith.constant 0 : i32
      %dma_start3A_222 = tpu.memref_slice %arg7[%dma_start3A_220, %dma_start3A_221] : memref<56x1024xf32, #tpu.memory_space<vmem>> -> memref<56x1024xf32, #tpu.memory_space<vmem>>
      tpu.enqueue_dma source(%dma_start3A_222 : memref<56x1024xf32, #tpu.memory_space<vmem>>) target(%dma_start3A_219 : memref<56x1024xf32, #tpu.memory_space<hbm>>) target_semaphore(%run_scoped3A : memref<!tpu.dma_semaphore, #tpu.memory_space<semaphore_mem>>)
      %dma_wait3A_223 = arith.constant 0 : i32
      %dma_wait3A_224 = arith.constant 0 : i32
      %dma_wait3A_225 = tpu.memref_slice %arg7[%dma_wait3A_223, %dma_wait3A_224] : memref<56x1024xf32, #tpu.memory_space<vmem>> -> memref<56x1024xf32, #tpu.memory_space<vmem>>
      %dma_wait3A_226 = arith.constant 0 : i32
      %dma_wait3A_227 = tpu.memref_slice %arg4[%select_n3A, %add3A_74, %dma_wait3A_226] : memref<4x4096x1024xf32, #tpu.memory_space<hbm>> -> memref<1x56x1024xf32, #tpu.memory_space<hbm>>
      %dma_wait3A_228 = tpu.memref_squeeze %dma_wait3A_227 : memref<1x56x1024xf32, #tpu.memory_space<hbm>> -> memref<56x1024xf32, #tpu.memory_space<hbm>>
      %dma_wait3A_229 = arith.constant 0 : i32
      %dma_wait3A_230 = tpu.memref_slice %arg4[%select_n3A, %add3A_74, %dma_wait3A_229] : memref<4x4096x1024xf32, #tpu.memory_space<hbm>> -> memref<1x56x1024xf32, #tpu.memory_space<hbm>>
      %dma_wait3A_231 = tpu.memref_squeeze %dma_wait3A_230 : memref<1x56x1024xf32, #tpu.memory_space<hbm>> -> memref<56x1024xf32, #tpu.memory_space<hbm>>
      %dma_wait3A_232 = arith.constant 0 : i32
      %dma_wait3A_233 = arith.constant 0 : i32
      %dma_wait3A_234 = tpu.memref_slice %arg7[%dma_wait3A_232, %dma_wait3A_233] : memref<56x1024xf32, #tpu.memory_space<vmem>> -> memref<56x1024xf32, #tpu.memory_space<vmem>>
      tpu.wait_dma2 semaphore(%run_scoped3A : memref<!tpu.dma_semaphore, #tpu.memory_space<semaphore_mem>>) src(%dma_wait3A_234 : memref<56x1024xf32, #tpu.memory_space<vmem>>) dst(%dma_wait3A_231 : memref<56x1024xf32, #tpu.memory_space<hbm>>)
      tpu.yield
    }) : () -> ()
    %dma_start3A_75 = arith.constant 0 : i32
    %dma_start3A_76 = arith.constant 0 : i32
    %dma_start3A_77 = tpu.memref_slice %arg7[%dma_start3A_75, %dma_start3A_76] : memref<56x1024xf32, #tpu.memory_space<vmem>> -> memref<56x1024xf32, #tpu.memory_space<vmem>>
    %dma_start3A_78 = arith.constant 168 : i32
    %dma_start3A_79 = tpu.memref_slice %arg5[%dma_start3A_78] : memref<512xi32, #tpu.memory_space<vmem>> -> memref<56xi32, #tpu.memory_space<vmem>>
    %dma_start3A_80 = arith.constant 0 : i32
    %dma_start3A_81 = arith.constant 0 : i32
    %dma_start3A_82 = tpu.memref_slice %arg3[%dma_start3A_80, %dma_start3A_81] : memref<100000x1024xf32, #tpu.memory_space<hbm>> -> memref<100000x1024xf32, #tpu.memory_space<hbm>>
    tpu.enqueue_indirect_dma source(%dma_start3A_82 : memref<100000x1024xf32, #tpu.memory_space<hbm>>) target(%dma_start3A_77 : memref<56x1024xf32, #tpu.memory_space<vmem>>) offsets(%dma_start3A_79 : memref<56xi32, #tpu.memory_space<vmem>>) semaphore(%arg9 : memref<!tpu.dma_semaphore, #tpu.memory_space<semaphore_mem>>)
    %dma_wait3A_83 = arith.constant 0 : i32
    %dma_wait3A_84 = arith.constant 0 : i32
    %dma_wait3A_85 = tpu.memref_slice %arg6[%dma_wait3A_83, %dma_wait3A_84] : memref<56x1024xf32, #tpu.memory_space<vmem>> -> memref<56x1024xf32, #tpu.memory_space<vmem>>
    %dma_wait3A_86 = arith.constant 112 : i32
    %dma_wait3A_87 = tpu.memref_slice %arg5[%dma_wait3A_86] : memref<512xi32, #tpu.memory_space<vmem>> -> memref<56xi32, #tpu.memory_space<vmem>>
    %dma_wait3A_88 = arith.constant 0 : i32
    %dma_wait3A_89 = arith.constant 0 : i32
    %dma_wait3A_90 = tpu.memref_slice %arg3[%dma_wait3A_88, %dma_wait3A_89] : memref<100000x1024xf32, #tpu.memory_space<hbm>> -> memref<100000x1024xf32, #tpu.memory_space<hbm>>
    tpu.wait_indirect_dma semaphore(%arg8 : memref<!tpu.dma_semaphore, #tpu.memory_space<semaphore_mem>>) src(%dma_wait3A_90 : memref<100000x1024xf32, #tpu.memory_space<hbm>>) dst(%dma_wait3A_85 : memref<56x1024xf32, #tpu.memory_space<vmem>>)
    %add3A_91 = arith.constant 112 : i32
    %add3A_92 = arith.addi %mul3A_32, %add3A_91 : i32
    "tpu.region"() ({
      %run_scoped3A = tpu.sem_alloc : memref<!tpu.dma_semaphore, #tpu.memory_space<semaphore_mem>>
      %dma_start3A_211 = arith.constant 0 : i32
      %dma_start3A_212 = arith.constant 0 : i32
      %dma_start3A_213 = tpu.memref_slice %arg6[%dma_start3A_211, %dma_start3A_212] : memref<56x1024xf32, #tpu.memory_space<vmem>> -> memref<56x1024xf32, #tpu.memory_space<vmem>>
      %dma_start3A_214 = arith.constant 0 : i32
      %dma_start3A_215 = tpu.memref_slice %arg4[%select_n3A, %add3A_92, %dma_start3A_214] : memref<4x4096x1024xf32, #tpu.memory_space<hbm>> -> memref<1x56x1024xf32, #tpu.memory_space<hbm>>
      %dma_start3A_216 = tpu.memref_squeeze %dma_start3A_215 : memref<1x56x1024xf32, #tpu.memory_space<hbm>> -> memref<56x1024xf32, #tpu.memory_space<hbm>>
      %dma_start3A_217 = arith.constant 0 : i32
      %dma_start3A_218 = tpu.memref_slice %arg4[%select_n3A, %add3A_92, %dma_start3A_217] : memref<4x4096x1024xf32, #tpu.memory_space<hbm>> -> memref<1x56x1024xf32, #tpu.memory_space<hbm>>
      %dma_start3A_219 = tpu.memref_squeeze %dma_start3A_218 : memref<1x56x1024xf32, #tpu.memory_space<hbm>> -> memref<56x1024xf32, #tpu.memory_space<hbm>>
      %dma_start3A_220 = arith.constant 0 : i32
      %dma_start3A_221 = arith.constant 0 : i32
      %dma_start3A_222 = tpu.memref_slice %arg6[%dma_start3A_220, %dma_start3A_221] : memref<56x1024xf32, #tpu.memory_space<vmem>> -> memref<56x1024xf32, #tpu.memory_space<vmem>>
      tpu.enqueue_dma source(%dma_start3A_222 : memref<56x1024xf32, #tpu.memory_space<vmem>>) target(%dma_start3A_219 : memref<56x1024xf32, #tpu.memory_space<hbm>>) target_semaphore(%run_scoped3A : memref<!tpu.dma_semaphore, #tpu.memory_space<semaphore_mem>>)
      %dma_wait3A_223 = arith.constant 0 : i32
      %dma_wait3A_224 = arith.constant 0 : i32
      %dma_wait3A_225 = tpu.memref_slice %arg6[%dma_wait3A_223, %dma_wait3A_224] : memref<56x1024xf32, #tpu.memory_space<vmem>> -> memref<56x1024xf32, #tpu.memory_space<vmem>>
      %dma_wait3A_226 = arith.constant 0 : i32
      %dma_wait3A_227 = tpu.memref_slice %arg4[%select_n3A, %add3A_92, %dma_wait3A_226] : memref<4x4096x1024xf32, #tpu.memory_space<hbm>> -> memref<1x56x1024xf32, #tpu.memory_space<hbm>>
      %dma_wait3A_228 = tpu.memref_squeeze %dma_wait3A_227 : memref<1x56x1024xf32, #tpu.memory_space<hbm>> -> memref<56x1024xf32, #tpu.memory_space<hbm>>
      %dma_wait3A_229 = arith.constant 0 : i32
      %dma_wait3A_230 = tpu.memref_slice %arg4[%select_n3A, %add3A_92, %dma_wait3A_229] : memref<4x4096x1024xf32, #tpu.memory_space<hbm>> -> memref<1x56x1024xf32, #tpu.memory_space<hbm>>
      %dma_wait3A_231 = tpu.memref_squeeze %dma_wait3A_230 : memref<1x56x1024xf32, #tpu.memory_space<hbm>> -> memref<56x1024xf32, #tpu.memory_space<hbm>>
      %dma_wait3A_232 = arith.constant 0 : i32
      %dma_wait3A_233 = arith.constant 0 : i32
      %dma_wait3A_234 = tpu.memref_slice %arg6[%dma_wait3A_232, %dma_wait3A_233] : memref<56x1024xf32, #tpu.memory_space<vmem>> -> memref<56x1024xf32, #tpu.memory_space<vmem>>
      tpu.wait_dma2 semaphore(%run_scoped3A : memref<!tpu.dma_semaphore, #tpu.memory_space<semaphore_mem>>) src(%dma_wait3A_234 : memref<56x1024xf32, #tpu.memory_space<vmem>>) dst(%dma_wait3A_231 : memref<56x1024xf32, #tpu.memory_space<hbm>>)
      tpu.yield
    }) : () -> ()
    %dma_start3A_93 = arith.constant 0 : i32
    %dma_start3A_94 = arith.constant 0 : i32
    %dma_start3A_95 = tpu.memref_slice %arg6[%dma_start3A_93, %dma_start3A_94] : memref<56x1024xf32, #tpu.memory_space<vmem>> -> memref<56x1024xf32, #tpu.memory_space<vmem>>
    %dma_start3A_96 = arith.constant 224 : i32
    %dma_start3A_97 = tpu.memref_slice %arg5[%dma_start3A_96] : memref<512xi32, #tpu.memory_space<vmem>> -> memref<56xi32, #tpu.memory_space<vmem>>
    %dma_start3A_98 = arith.constant 0 : i32
    %dma_start3A_99 = arith.constant 0 : i32
    %dma_start3A_100 = tpu.memref_slice %arg3[%dma_start3A_98, %dma_start3A_99] : memref<100000x1024xf32, #tpu.memory_space<hbm>> -> memref<100000x1024xf32, #tpu.memory_space<hbm>>
    tpu.enqueue_indirect_dma source(%dma_start3A_100 : memref<100000x1024xf32, #tpu.memory_space<hbm>>) target(%dma_start3A_95 : memref<56x1024xf32, #tpu.memory_space<vmem>>) offsets(%dma_start3A_97 : memref<56xi32, #tpu.memory_space<vmem>>) semaphore(%arg8 : memref<!tpu.dma_semaphore, #tpu.memory_space<semaphore_mem>>)
    %dma_wait3A_101 = arith.constant 0 : i32
    %dma_wait3A_102 = arith.constant 0 : i32
    %dma_wait3A_103 = tpu.memref_slice %arg7[%dma_wait3A_101, %dma_wait3A_102] : memref<56x1024xf32, #tpu.memory_space<vmem>> -> memref<56x1024xf32, #tpu.memory_space<vmem>>
    %dma_wait3A_104 = arith.constant 168 : i32
    %dma_wait3A_105 = tpu.memref_slice %arg5[%dma_wait3A_104] : memref<512xi32, #tpu.memory_space<vmem>> -> memref<56xi32, #tpu.memory_space<vmem>>
    %dma_wait3A_106 = arith.constant 0 : i32
    %dma_wait3A_107 = arith.constant 0 : i32
    %dma_wait3A_108 = tpu.memref_slice %arg3[%dma_wait3A_106, %dma_wait3A_107] : memref<100000x1024xf32, #tpu.memory_space<hbm>> -> memref<100000x1024xf32, #tpu.memory_space<hbm>>
    tpu.wait_indirect_dma semaphore(%arg9 : memref<!tpu.dma_semaphore, #tpu.memory_space<semaphore_mem>>) src(%dma_wait3A_108 : memref<100000x1024xf32, #tpu.memory_space<hbm>>) dst(%dma_wait3A_103 : memref<56x1024xf32, #tpu.memory_space<vmem>>)
    %add3A_109 = arith.constant 168 : i32
    %add3A_110 = arith.addi %mul3A_32, %add3A_109 : i32
    "tpu.region"() ({
      %run_scoped3A = tpu.sem_alloc : memref<!tpu.dma_semaphore, #tpu.memory_space<semaphore_mem>>
      %dma_start3A_211 = arith.constant 0 : i32
      %dma_start3A_212 = arith.constant 0 : i32
      %dma_start3A_213 = tpu.memref_slice %arg7[%dma_start3A_211, %dma_start3A_212] : memref<56x1024xf32, #tpu.memory_space<vmem>> -> memref<56x1024xf32, #tpu.memory_space<vmem>>
      %dma_start3A_214 = arith.constant 0 : i32
      %dma_start3A_215 = tpu.memref_slice %arg4[%select_n3A, %add3A_110, %dma_start3A_214] : memref<4x4096x1024xf32, #tpu.memory_space<hbm>> -> memref<1x56x1024xf32, #tpu.memory_space<hbm>>
      %dma_start3A_216 = tpu.memref_squeeze %dma_start3A_215 : memref<1x56x1024xf32, #tpu.memory_space<hbm>> -> memref<56x1024xf32, #tpu.memory_space<hbm>>
      %dma_start3A_217 = arith.constant 0 : i32
      %dma_start3A_218 = tpu.memref_slice %arg4[%select_n3A, %add3A_110, %dma_start3A_217] : memref<4x4096x1024xf32, #tpu.memory_space<hbm>> -> memref<1x56x1024xf32, #tpu.memory_space<hbm>>
      %dma_start3A_219 = tpu.memref_squeeze %dma_start3A_218 : memref<1x56x1024xf32, #tpu.memory_space<hbm>> -> memref<56x1024xf32, #tpu.memory_space<hbm>>
      %dma_start3A_220 = arith.constant 0 : i32
      %dma_start3A_221 = arith.constant 0 : i32
      %dma_start3A_222 = tpu.memref_slice %arg7[%dma_start3A_220, %dma_start3A_221] : memref<56x1024xf32, #tpu.memory_space<vmem>> -> memref<56x1024xf32, #tpu.memory_space<vmem>>
      tpu.enqueue_dma source(%dma_start3A_222 : memref<56x1024xf32, #tpu.memory_space<vmem>>) target(%dma_start3A_219 : memref<56x1024xf32, #tpu.memory_space<hbm>>) target_semaphore(%run_scoped3A : memref<!tpu.dma_semaphore, #tpu.memory_space<semaphore_mem>>)
      %dma_wait3A_223 = arith.constant 0 : i32
      %dma_wait3A_224 = arith.constant 0 : i32
      %dma_wait3A_225 = tpu.memref_slice %arg7[%dma_wait3A_223, %dma_wait3A_224] : memref<56x1024xf32, #tpu.memory_space<vmem>> -> memref<56x1024xf32, #tpu.memory_space<vmem>>
      %dma_wait3A_226 = arith.constant 0 : i32
      %dma_wait3A_227 = tpu.memref_slice %arg4[%select_n3A, %add3A_110, %dma_wait3A_226] : memref<4x4096x1024xf32, #tpu.memory_space<hbm>> -> memref<1x56x1024xf32, #tpu.memory_space<hbm>>
      %dma_wait3A_228 = tpu.memref_squeeze %dma_wait3A_227 : memref<1x56x1024xf32, #tpu.memory_space<hbm>> -> memref<56x1024xf32, #tpu.memory_space<hbm>>
      %dma_wait3A_229 = arith.constant 0 : i32
      %dma_wait3A_230 = tpu.memref_slice %arg4[%select_n3A, %add3A_110, %dma_wait3A_229] : memref<4x4096x1024xf32, #tpu.memory_space<hbm>> -> memref<1x56x1024xf32, #tpu.memory_space<hbm>>
      %dma_wait3A_231 = tpu.memref_squeeze %dma_wait3A_230 : memref<1x56x1024xf32, #tpu.memory_space<hbm>> -> memref<56x1024xf32, #tpu.memory_space<hbm>>
      %dma_wait3A_232 = arith.constant 0 : i32
      %dma_wait3A_233 = arith.constant 0 : i32
      %dma_wait3A_234 = tpu.memref_slice %arg7[%dma_wait3A_232, %dma_wait3A_233] : memref<56x1024xf32, #tpu.memory_space<vmem>> -> memref<56x1024xf32, #tpu.memory_space<vmem>>
      tpu.wait_dma2 semaphore(%run_scoped3A : memref<!tpu.dma_semaphore, #tpu.memory_space<semaphore_mem>>) src(%dma_wait3A_234 : memref<56x1024xf32, #tpu.memory_space<vmem>>) dst(%dma_wait3A_231 : memref<56x1024xf32, #tpu.memory_space<hbm>>)
      tpu.yield
    }) : () -> ()
    %dma_start3A_111 = arith.constant 0 : i32
    %dma_start3A_112 = arith.constant 0 : i32
    %dma_start3A_113 = tpu.memref_slice %arg7[%dma_start3A_111, %dma_start3A_112] : memref<56x1024xf32, #tpu.memory_space<vmem>> -> memref<56x1024xf32, #tpu.memory_space<vmem>>
    %dma_start3A_114 = arith.constant 280 : i32
    %dma_start3A_115 = tpu.memref_slice %arg5[%dma_start3A_114] : memref<512xi32, #tpu.memory_space<vmem>> -> memref<56xi32, #tpu.memory_space<vmem>>
    %dma_start3A_116 = arith.constant 0 : i32
    %dma_start3A_117 = arith.constant 0 : i32
    %dma_start3A_118 = tpu.memref_slice %arg3[%dma_start3A_116, %dma_start3A_117] : memref<100000x1024xf32, #tpu.memory_space<hbm>> -> memref<100000x1024xf32, #tpu.memory_space<hbm>>
    tpu.enqueue_indirect_dma source(%dma_start3A_118 : memref<100000x1024xf32, #tpu.memory_space<hbm>>) target(%dma_start3A_113 : memref<56x1024xf32, #tpu.memory_space<vmem>>) offsets(%dma_start3A_115 : memref<56xi32, #tpu.memory_space<vmem>>) semaphore(%arg9 : memref<!tpu.dma_semaphore, #tpu.memory_space<semaphore_mem>>)
    %dma_wait3A_119 = arith.constant 0 : i32
    %dma_wait3A_120 = arith.constant 0 : i32
    %dma_wait3A_121 = tpu.memref_slice %arg6[%dma_wait3A_119, %dma_wait3A_120] : memref<56x1024xf32, #tpu.memory_space<vmem>> -> memref<56x1024xf32, #tpu.memory_space<vmem>>
    %dma_wait3A_122 = arith.constant 224 : i32
    %dma_wait3A_123 = tpu.memref_slice %arg5[%dma_wait3A_122] : memref<512xi32, #tpu.memory_space<vmem>> -> memref<56xi32, #tpu.memory_space<vmem>>
    %dma_wait3A_124 = arith.constant 0 : i32
    %dma_wait3A_125 = arith.constant 0 : i32
    %dma_wait3A_126 = tpu.memref_slice %arg3[%dma_wait3A_124, %dma_wait3A_125] : memref<100000x1024xf32, #tpu.memory_space<hbm>> -> memref<100000x1024xf32, #tpu.memory_space<hbm>>
    tpu.wait_indirect_dma semaphore(%arg8 : memref<!tpu.dma_semaphore, #tpu.memory_space<semaphore_mem>>) src(%dma_wait3A_126 : memref<100000x1024xf32, #tpu.memory_space<hbm>>) dst(%dma_wait3A_121 : memref<56x1024xf32, #tpu.memory_space<vmem>>)
    %add3A_127 = arith.constant 224 : i32
    %add3A_128 = arith.addi %mul3A_32, %add3A_127 : i32
    "tpu.region"() ({
      %run_scoped3A = tpu.sem_alloc : memref<!tpu.dma_semaphore, #tpu.memory_space<semaphore_mem>>
      %dma_start3A_211 = arith.constant 0 : i32
      %dma_start3A_212 = arith.constant 0 : i32
      %dma_start3A_213 = tpu.memref_slice %arg6[%dma_start3A_211, %dma_start3A_212] : memref<56x1024xf32, #tpu.memory_space<vmem>> -> memref<56x1024xf32, #tpu.memory_space<vmem>>
      %dma_start3A_214 = arith.constant 0 : i32
      %dma_start3A_215 = tpu.memref_slice %arg4[%select_n3A, %add3A_128, %dma_start3A_214] : memref<4x4096x1024xf32, #tpu.memory_space<hbm>> -> memref<1x56x1024xf32, #tpu.memory_space<hbm>>
      %dma_start3A_216 = tpu.memref_squeeze %dma_start3A_215 : memref<1x56x1024xf32, #tpu.memory_space<hbm>> -> memref<56x1024xf32, #tpu.memory_space<hbm>>
      %dma_start3A_217 = arith.constant 0 : i32
      %dma_start3A_218 = tpu.memref_slice %arg4[%select_n3A, %add3A_128, %dma_start3A_217] : memref<4x4096x1024xf32, #tpu.memory_space<hbm>> -> memref<1x56x1024xf32, #tpu.memory_space<hbm>>
      %dma_start3A_219 = tpu.memref_squeeze %dma_start3A_218 : memref<1x56x1024xf32, #tpu.memory_space<hbm>> -> memref<56x1024xf32, #tpu.memory_space<hbm>>
      %dma_start3A_220 = arith.constant 0 : i32
      %dma_start3A_221 = arith.constant 0 : i32
      %dma_start3A_222 = tpu.memref_slice %arg6[%dma_start3A_220, %dma_start3A_221] : memref<56x1024xf32, #tpu.memory_space<vmem>> -> memref<56x1024xf32, #tpu.memory_space<vmem>>
      tpu.enqueue_dma source(%dma_start3A_222 : memref<56x1024xf32, #tpu.memory_space<vmem>>) target(%dma_start3A_219 : memref<56x1024xf32, #tpu.memory_space<hbm>>) target_semaphore(%run_scoped3A : memref<!tpu.dma_semaphore, #tpu.memory_space<semaphore_mem>>)
      %dma_wait3A_223 = arith.constant 0 : i32
      %dma_wait3A_224 = arith.constant 0 : i32
      %dma_wait3A_225 = tpu.memref_slice %arg6[%dma_wait3A_223, %dma_wait3A_224] : memref<56x1024xf32, #tpu.memory_space<vmem>> -> memref<56x1024xf32, #tpu.memory_space<vmem>>
      %dma_wait3A_226 = arith.constant 0 : i32
      %dma_wait3A_227 = tpu.memref_slice %arg4[%select_n3A, %add3A_128, %dma_wait3A_226] : memref<4x4096x1024xf32, #tpu.memory_space<hbm>> -> memref<1x56x1024xf32, #tpu.memory_space<hbm>>
      %dma_wait3A_228 = tpu.memref_squeeze %dma_wait3A_227 : memref<1x56x1024xf32, #tpu.memory_space<hbm>> -> memref<56x1024xf32, #tpu.memory_space<hbm>>
      %dma_wait3A_229 = arith.constant 0 : i32
      %dma_wait3A_230 = tpu.memref_slice %arg4[%select_n3A, %add3A_128, %dma_wait3A_229] : memref<4x4096x1024xf32, #tpu.memory_space<hbm>> -> memref<1x56x1024xf32, #tpu.memory_space<hbm>>
      %dma_wait3A_231 = tpu.memref_squeeze %dma_wait3A_230 : memref<1x56x1024xf32, #tpu.memory_space<hbm>> -> memref<56x1024xf32, #tpu.memory_space<hbm>>
      %dma_wait3A_232 = arith.constant 0 : i32
      %dma_wait3A_233 = arith.constant 0 : i32
      %dma_wait3A_234 = tpu.memref_slice %arg6[%dma_wait3A_232, %dma_wait3A_233] : memref<56x1024xf32, #tpu.memory_space<vmem>> -> memref<56x1024xf32, #tpu.memory_space<vmem>>
      tpu.wait_dma2 semaphore(%run_scoped3A : memref<!tpu.dma_semaphore, #tpu.memory_space<semaphore_mem>>) src(%dma_wait3A_234 : memref<56x1024xf32, #tpu.memory_space<vmem>>) dst(%dma_wait3A_231 : memref<56x1024xf32, #tpu.memory_space<hbm>>)
      tpu.yield
    }) : () -> ()
    %dma_start3A_129 = arith.constant 0 : i32
    %dma_start3A_130 = arith.constant 0 : i32
    %dma_start3A_131 = tpu.memref_slice %arg6[%dma_start3A_129, %dma_start3A_130] : memref<56x1024xf32, #tpu.memory_space<vmem>> -> memref<56x1024xf32, #tpu.memory_space<vmem>>
    %dma_start3A_132 = arith.constant 336 : i32
    %dma_start3A_133 = tpu.memref_slice %arg5[%dma_start3A_132] : memref<512xi32, #tpu.memory_space<vmem>> -> memref<56xi32, #tpu.memory_space<vmem>>
    %dma_start3A_134 = arith.constant 0 : i32
    %dma_start3A_135 = arith.constant 0 : i32
    %dma_start3A_136 = tpu.memref_slice %arg3[%dma_start3A_134, %dma_start3A_135] : memref<100000x1024xf32, #tpu.memory_space<hbm>> -> memref<100000x1024xf32, #tpu.memory_space<hbm>>
    tpu.enqueue_indirect_dma source(%dma_start3A_136 : memref<100000x1024xf32, #tpu.memory_space<hbm>>) target(%dma_start3A_131 : memref<56x1024xf32, #tpu.memory_space<vmem>>) offsets(%dma_start3A_133 : memref<56xi32, #tpu.memory_space<vmem>>) semaphore(%arg8 : memref<!tpu.dma_semaphore, #tpu.memory_space<semaphore_mem>>)
    %dma_wait3A_137 = arith.constant 0 : i32
    %dma_wait3A_138 = arith.constant 0 : i32
    %dma_wait3A_139 = tpu.memref_slice %arg7[%dma_wait3A_137, %dma_wait3A_138] : memref<56x1024xf32, #tpu.memory_space<vmem>> -> memref<56x1024xf32, #tpu.memory_space<vmem>>
    %dma_wait3A_140 = arith.constant 280 : i32
    %dma_wait3A_141 = tpu.memref_slice %arg5[%dma_wait3A_140] : memref<512xi32, #tpu.memory_space<vmem>> -> memref<56xi32, #tpu.memory_space<vmem>>
    %dma_wait3A_142 = arith.constant 0 : i32
    %dma_wait3A_143 = arith.constant 0 : i32
    %dma_wait3A_144 = tpu.memref_slice %arg3[%dma_wait3A_142, %dma_wait3A_143] : memref<100000x1024xf32, #tpu.memory_space<hbm>> -> memref<100000x1024xf32, #tpu.memory_space<hbm>>
    tpu.wait_indirect_dma semaphore(%arg9 : memref<!tpu.dma_semaphore, #tpu.memory_space<semaphore_mem>>) src(%dma_wait3A_144 : memref<100000x1024xf32, #tpu.memory_space<hbm>>) dst(%dma_wait3A_139 : memref<56x1024xf32, #tpu.memory_space<vmem>>)
    %add3A_145 = arith.constant 280 : i32
    %add3A_146 = arith.addi %mul3A_32, %add3A_145 : i32
    "tpu.region"() ({
      %run_scoped3A = tpu.sem_alloc : memref<!tpu.dma_semaphore, #tpu.memory_space<semaphore_mem>>
      %dma_start3A_211 = arith.constant 0 : i32
      %dma_start3A_212 = arith.constant 0 : i32
      %dma_start3A_213 = tpu.memref_slice %arg7[%dma_start3A_211, %dma_start3A_212] : memref<56x1024xf32, #tpu.memory_space<vmem>> -> memref<56x1024xf32, #tpu.memory_space<vmem>>
      %dma_start3A_214 = arith.constant 0 : i32
      %dma_start3A_215 = tpu.memref_slice %arg4[%select_n3A, %add3A_146, %dma_start3A_214] : memref<4x4096x1024xf32, #tpu.memory_space<hbm>> -> memref<1x56x1024xf32, #tpu.memory_space<hbm>>
      %dma_start3A_216 = tpu.memref_squeeze %dma_start3A_215 : memref<1x56x1024xf32, #tpu.memory_space<hbm>> -> memref<56x1024xf32, #tpu.memory_space<hbm>>
      %dma_start3A_217 = arith.constant 0 : i32
      %dma_start3A_218 = tpu.memref_slice %arg4[%select_n3A, %add3A_146, %dma_start3A_217] : memref<4x4096x1024xf32, #tpu.memory_space<hbm>> -> memref<1x56x1024xf32, #tpu.memory_space<hbm>>
      %dma_start3A_219 = tpu.memref_squeeze %dma_start3A_218 : memref<1x56x1024xf32, #tpu.memory_space<hbm>> -> memref<56x1024xf32, #tpu.memory_space<hbm>>
      %dma_start3A_220 = arith.constant 0 : i32
      %dma_start3A_221 = arith.constant 0 : i32
      %dma_start3A_222 = tpu.memref_slice %arg7[%dma_start3A_220, %dma_start3A_221] : memref<56x1024xf32, #tpu.memory_space<vmem>> -> memref<56x1024xf32, #tpu.memory_space<vmem>>
      tpu.enqueue_dma source(%dma_start3A_222 : memref<56x1024xf32, #tpu.memory_space<vmem>>) target(%dma_start3A_219 : memref<56x1024xf32, #tpu.memory_space<hbm>>) target_semaphore(%run_scoped3A : memref<!tpu.dma_semaphore, #tpu.memory_space<semaphore_mem>>)
      %dma_wait3A_223 = arith.constant 0 : i32
      %dma_wait3A_224 = arith.constant 0 : i32
      %dma_wait3A_225 = tpu.memref_slice %arg7[%dma_wait3A_223, %dma_wait3A_224] : memref<56x1024xf32, #tpu.memory_space<vmem>> -> memref<56x1024xf32, #tpu.memory_space<vmem>>
      %dma_wait3A_226 = arith.constant 0 : i32
      %dma_wait3A_227 = tpu.memref_slice %arg4[%select_n3A, %add3A_146, %dma_wait3A_226] : memref<4x4096x1024xf32, #tpu.memory_space<hbm>> -> memref<1x56x1024xf32, #tpu.memory_space<hbm>>
      %dma_wait3A_228 = tpu.memref_squeeze %dma_wait3A_227 : memref<1x56x1024xf32, #tpu.memory_space<hbm>> -> memref<56x1024xf32, #tpu.memory_space<hbm>>
      %dma_wait3A_229 = arith.constant 0 : i32
      %dma_wait3A_230 = tpu.memref_slice %arg4[%select_n3A, %add3A_146, %dma_wait3A_229] : memref<4x4096x1024xf32, #tpu.memory_space<hbm>> -> memref<1x56x1024xf32, #tpu.memory_space<hbm>>
      %dma_wait3A_231 = tpu.memref_squeeze %dma_wait3A_230 : memref<1x56x1024xf32, #tpu.memory_space<hbm>> -> memref<56x1024xf32, #tpu.memory_space<hbm>>
      %dma_wait3A_232 = arith.constant 0 : i32
      %dma_wait3A_233 = arith.constant 0 : i32
      %dma_wait3A_234 = tpu.memref_slice %arg7[%dma_wait3A_232, %dma_wait3A_233] : memref<56x1024xf32, #tpu.memory_space<vmem>> -> memref<56x1024xf32, #tpu.memory_space<vmem>>
      tpu.wait_dma2 semaphore(%run_scoped3A : memref<!tpu.dma_semaphore, #tpu.memory_space<semaphore_mem>>) src(%dma_wait3A_234 : memref<56x1024xf32, #tpu.memory_space<vmem>>) dst(%dma_wait3A_231 : memref<56x1024xf32, #tpu.memory_space<hbm>>)
      tpu.yield
    }) : () -> ()
    %dma_start3A_147 = arith.constant 0 : i32
    %dma_start3A_148 = arith.constant 0 : i32
    %dma_start3A_149 = tpu.memref_slice %arg7[%dma_start3A_147, %dma_start3A_148] : memref<56x1024xf32, #tpu.memory_space<vmem>> -> memref<56x1024xf32, #tpu.memory_space<vmem>>
    %dma_start3A_150 = arith.constant 392 : i32
    %dma_start3A_151 = tpu.memref_slice %arg5[%dma_start3A_150] : memref<512xi32, #tpu.memory_space<vmem>> -> memref<56xi32, #tpu.memory_space<vmem>>
    %dma_start3A_152 = arith.constant 0 : i32
    %dma_start3A_153 = arith.constant 0 : i32
    %dma_start3A_154 = tpu.memref_slice %arg3[%dma_start3A_152, %dma_start3A_153] : memref<100000x1024xf32, #tpu.memory_space<hbm>> -> memref<100000x1024xf32, #tpu.memory_space<hbm>>
    tpu.enqueue_indirect_dma source(%dma_start3A_154 : memref<100000x1024xf32, #tpu.memory_space<hbm>>) target(%dma_start3A_149 : memref<56x1024xf32, #tpu.memory_space<vmem>>) offsets(%dma_start3A_151 : memref<56xi32, #tpu.memory_space<vmem>>) semaphore(%arg9 : memref<!tpu.dma_semaphore, #tpu.memory_space<semaphore_mem>>)
    %dma_wait3A_155 = arith.constant 0 : i32
    %dma_wait3A_156 = arith.constant 0 : i32
    %dma_wait3A_157 = tpu.memref_slice %arg6[%dma_wait3A_155, %dma_wait3A_156] : memref<56x1024xf32, #tpu.memory_space<vmem>> -> memref<56x1024xf32, #tpu.memory_space<vmem>>
    %dma_wait3A_158 = arith.constant 336 : i32
    %dma_wait3A_159 = tpu.memref_slice %arg5[%dma_wait3A_158] : memref<512xi32, #tpu.memory_space<vmem>> -> memref<56xi32, #tpu.memory_space<vmem>>
    %dma_wait3A_160 = arith.constant 0 : i32
    %dma_wait3A_161 = arith.constant 0 : i32
    %dma_wait3A_162 = tpu.memref_slice %arg3[%dma_wait3A_160, %dma_wait3A_161] : memref<100000x1024xf32, #tpu.memory_space<hbm>> -> memref<100000x1024xf32, #tpu.memory_space<hbm>>
    tpu.wait_indirect_dma semaphore(%arg8 : memref<!tpu.dma_semaphore, #tpu.memory_space<semaphore_mem>>) src(%dma_wait3A_162 : memref<100000x1024xf32, #tpu.memory_space<hbm>>) dst(%dma_wait3A_157 : memref<56x1024xf32, #tpu.memory_space<vmem>>)
    %add3A_163 = arith.constant 336 : i32
    %add3A_164 = arith.addi %mul3A_32, %add3A_163 : i32
    "tpu.region"() ({
      %run_scoped3A = tpu.sem_alloc : memref<!tpu.dma_semaphore, #tpu.memory_space<semaphore_mem>>
      %dma_start3A_211 = arith.constant 0 : i32
      %dma_start3A_212 = arith.constant 0 : i32
      %dma_start3A_213 = tpu.memref_slice %arg6[%dma_start3A_211, %dma_start3A_212] : memref<56x1024xf32, #tpu.memory_space<vmem>> -> memref<56x1024xf32, #tpu.memory_space<vmem>>
      %dma_start3A_214 = arith.constant 0 : i32
      %dma_start3A_215 = tpu.memref_slice %arg4[%select_n3A, %add3A_164, %dma_start3A_214] : memref<4x4096x1024xf32, #tpu.memory_space<hbm>> -> memref<1x56x1024xf32, #tpu.memory_space<hbm>>
      %dma_start3A_216 = tpu.memref_squeeze %dma_start3A_215 : memref<1x56x1024xf32, #tpu.memory_space<hbm>> -> memref<56x1024xf32, #tpu.memory_space<hbm>>
      %dma_start3A_217 = arith.constant 0 : i32
      %dma_start3A_218 = tpu.memref_slice %arg4[%select_n3A, %add3A_164, %dma_start3A_217] : memref<4x4096x1024xf32, #tpu.memory_space<hbm>> -> memref<1x56x1024xf32, #tpu.memory_space<hbm>>
      %dma_start3A_219 = tpu.memref_squeeze %dma_start3A_218 : memref<1x56x1024xf32, #tpu.memory_space<hbm>> -> memref<56x1024xf32, #tpu.memory_space<hbm>>
      %dma_start3A_220 = arith.constant 0 : i32
      %dma_start3A_221 = arith.constant 0 : i32
      %dma_start3A_222 = tpu.memref_slice %arg6[%dma_start3A_220, %dma_start3A_221] : memref<56x1024xf32, #tpu.memory_space<vmem>> -> memref<56x1024xf32, #tpu.memory_space<vmem>>
      tpu.enqueue_dma source(%dma_start3A_222 : memref<56x1024xf32, #tpu.memory_space<vmem>>) target(%dma_start3A_219 : memref<56x1024xf32, #tpu.memory_space<hbm>>) target_semaphore(%run_scoped3A : memref<!tpu.dma_semaphore, #tpu.memory_space<semaphore_mem>>)
      %dma_wait3A_223 = arith.constant 0 : i32
      %dma_wait3A_224 = arith.constant 0 : i32
      %dma_wait3A_225 = tpu.memref_slice %arg6[%dma_wait3A_223, %dma_wait3A_224] : memref<56x1024xf32, #tpu.memory_space<vmem>> -> memref<56x1024xf32, #tpu.memory_space<vmem>>
      %dma_wait3A_226 = arith.constant 0 : i32
      %dma_wait3A_227 = tpu.memref_slice %arg4[%select_n3A, %add3A_164, %dma_wait3A_226] : memref<4x4096x1024xf32, #tpu.memory_space<hbm>> -> memref<1x56x1024xf32, #tpu.memory_space<hbm>>
      %dma_wait3A_228 = tpu.memref_squeeze %dma_wait3A_227 : memref<1x56x1024xf32, #tpu.memory_space<hbm>> -> memref<56x1024xf32, #tpu.memory_space<hbm>>
      %dma_wait3A_229 = arith.constant 0 : i32
      %dma_wait3A_230 = tpu.memref_slice %arg4[%select_n3A, %add3A_164, %dma_wait3A_229] : memref<4x4096x1024xf32, #tpu.memory_space<hbm>> -> memref<1x56x1024xf32, #tpu.memory_space<hbm>>
      %dma_wait3A_231 = tpu.memref_squeeze %dma_wait3A_230 : memref<1x56x1024xf32, #tpu.memory_space<hbm>> -> memref<56x1024xf32, #tpu.memory_space<hbm>>
      %dma_wait3A_232 = arith.constant 0 : i32
      %dma_wait3A_233 = arith.constant 0 : i32
      %dma_wait3A_234 = tpu.memref_slice %arg6[%dma_wait3A_232, %dma_wait3A_233] : memref<56x1024xf32, #tpu.memory_space<vmem>> -> memref<56x1024xf32, #tpu.memory_space<vmem>>
      tpu.wait_dma2 semaphore(%run_scoped3A : memref<!tpu.dma_semaphore, #tpu.memory_space<semaphore_mem>>) src(%dma_wait3A_234 : memref<56x1024xf32, #tpu.memory_space<vmem>>) dst(%dma_wait3A_231 : memref<56x1024xf32, #tpu.memory_space<hbm>>)
      tpu.yield
    }) : () -> ()
    %dma_start3A_165 = arith.constant 0 : i32
    %dma_start3A_166 = arith.constant 0 : i32
    %dma_start3A_167 = tpu.memref_slice %arg6[%dma_start3A_165, %dma_start3A_166] : memref<56x1024xf32, #tpu.memory_space<vmem>> -> memref<56x1024xf32, #tpu.memory_space<vmem>>
    %dma_start3A_168 = arith.constant 448 : i32
    %dma_start3A_169 = tpu.memref_slice %arg5[%dma_start3A_168] : memref<512xi32, #tpu.memory_space<vmem>> -> memref<56xi32, #tpu.memory_space<vmem>>
    %dma_start3A_170 = arith.constant 0 : i32
    %dma_start3A_171 = arith.constant 0 : i32
    %dma_start3A_172 = tpu.memref_slice %arg3[%dma_start3A_170, %dma_start3A_171] : memref<100000x1024xf32, #tpu.memory_space<hbm>> -> memref<100000x1024xf32, #tpu.memory_space<hbm>>
    tpu.enqueue_indirect_dma source(%dma_start3A_172 : memref<100000x1024xf32, #tpu.memory_space<hbm>>) target(%dma_start3A_167 : memref<56x1024xf32, #tpu.memory_space<vmem>>) offsets(%dma_start3A_169 : memref<56xi32, #tpu.memory_space<vmem>>) semaphore(%arg8 : memref<!tpu.dma_semaphore, #tpu.memory_space<semaphore_mem>>)
    %dma_wait3A_173 = arith.constant 0 : i32
    %dma_wait3A_174 = arith.constant 0 : i32
    %dma_wait3A_175 = tpu.memref_slice %arg7[%dma_wait3A_173, %dma_wait3A_174] : memref<56x1024xf32, #tpu.memory_space<vmem>> -> memref<56x1024xf32, #tpu.memory_space<vmem>>
    %dma_wait3A_176 = arith.constant 392 : i32
    %dma_wait3A_177 = tpu.memref_slice %arg5[%dma_wait3A_176] : memref<512xi32, #tpu.memory_space<vmem>> -> memref<56xi32, #tpu.memory_space<vmem>>
    %dma_wait3A_178 = arith.constant 0 : i32
    %dma_wait3A_179 = arith.constant 0 : i32
    %dma_wait3A_180 = tpu.memref_slice %arg3[%dma_wait3A_178, %dma_wait3A_179] : memref<100000x1024xf32, #tpu.memory_space<hbm>> -> memref<100000x1024xf32, #tpu.memory_space<hbm>>
    tpu.wait_indirect_dma semaphore(%arg9 : memref<!tpu.dma_semaphore, #tpu.memory_space<semaphore_mem>>) src(%dma_wait3A_180 : memref<100000x1024xf32, #tpu.memory_space<hbm>>) dst(%dma_wait3A_175 : memref<56x1024xf32, #tpu.memory_space<vmem>>)
    %add3A_181 = arith.constant 392 : i32
    %add3A_182 = arith.addi %mul3A_32, %add3A_181 : i32
    "tpu.region"() ({
      %run_scoped3A = tpu.sem_alloc : memref<!tpu.dma_semaphore, #tpu.memory_space<semaphore_mem>>
      %dma_start3A_211 = arith.constant 0 : i32
      %dma_start3A_212 = arith.constant 0 : i32
      %dma_start3A_213 = tpu.memref_slice %arg7[%dma_start3A_211, %dma_start3A_212] : memref<56x1024xf32, #tpu.memory_space<vmem>> -> memref<56x1024xf32, #tpu.memory_space<vmem>>
      %dma_start3A_214 = arith.constant 0 : i32
      %dma_start3A_215 = tpu.memref_slice %arg4[%select_n3A, %add3A_182, %dma_start3A_214] : memref<4x4096x1024xf32, #tpu.memory_space<hbm>> -> memref<1x56x1024xf32, #tpu.memory_space<hbm>>
      %dma_start3A_216 = tpu.memref_squeeze %dma_start3A_215 : memref<1x56x1024xf32, #tpu.memory_space<hbm>> -> memref<56x1024xf32, #tpu.memory_space<hbm>>
      %dma_start3A_217 = arith.constant 0 : i32
      %dma_start3A_218 = tpu.memref_slice %arg4[%select_n3A, %add3A_182, %dma_start3A_217] : memref<4x4096x1024xf32, #tpu.memory_space<hbm>> -> memref<1x56x1024xf32, #tpu.memory_space<hbm>>
      %dma_start3A_219 = tpu.memref_squeeze %dma_start3A_218 : memref<1x56x1024xf32, #tpu.memory_space<hbm>> -> memref<56x1024xf32, #tpu.memory_space<hbm>>
      %dma_start3A_220 = arith.constant 0 : i32
      %dma_start3A_221 = arith.constant 0 : i32
      %dma_start3A_222 = tpu.memref_slice %arg7[%dma_start3A_220, %dma_start3A_221] : memref<56x1024xf32, #tpu.memory_space<vmem>> -> memref<56x1024xf32, #tpu.memory_space<vmem>>
      tpu.enqueue_dma source(%dma_start3A_222 : memref<56x1024xf32, #tpu.memory_space<vmem>>) target(%dma_start3A_219 : memref<56x1024xf32, #tpu.memory_space<hbm>>) target_semaphore(%run_scoped3A : memref<!tpu.dma_semaphore, #tpu.memory_space<semaphore_mem>>)
      %dma_wait3A_223 = arith.constant 0 : i32
      %dma_wait3A_224 = arith.constant 0 : i32
      %dma_wait3A_225 = tpu.memref_slice %arg7[%dma_wait3A_223, %dma_wait3A_224] : memref<56x1024xf32, #tpu.memory_space<vmem>> -> memref<56x1024xf32, #tpu.memory_space<vmem>>
      %dma_wait3A_226 = arith.constant 0 : i32
      %dma_wait3A_227 = tpu.memref_slice %arg4[%select_n3A, %add3A_182, %dma_wait3A_226] : memref<4x4096x1024xf32, #tpu.memory_space<hbm>> -> memref<1x56x1024xf32, #tpu.memory_space<hbm>>
      %dma_wait3A_228 = tpu.memref_squeeze %dma_wait3A_227 : memref<1x56x1024xf32, #tpu.memory_space<hbm>> -> memref<56x1024xf32, #tpu.memory_space<hbm>>
      %dma_wait3A_229 = arith.constant 0 : i32
      %dma_wait3A_230 = tpu.memref_slice %arg4[%select_n3A, %add3A_182, %dma_wait3A_229] : memref<4x4096x1024xf32, #tpu.memory_space<hbm>> -> memref<1x56x1024xf32, #tpu.memory_space<hbm>>
      %dma_wait3A_231 = tpu.memref_squeeze %dma_wait3A_230 : memref<1x56x1024xf32, #tpu.memory_space<hbm>> -> memref<56x1024xf32, #tpu.memory_space<hbm>>
      %dma_wait3A_232 = arith.constant 0 : i32
      %dma_wait3A_233 = arith.constant 0 : i32
      %dma_wait3A_234 = tpu.memref_slice %arg7[%dma_wait3A_232, %dma_wait3A_233] : memref<56x1024xf32, #tpu.memory_space<vmem>> -> memref<56x1024xf32, #tpu.memory_space<vmem>>
      tpu.wait_dma2 semaphore(%run_scoped3A : memref<!tpu.dma_semaphore, #tpu.memory_space<semaphore_mem>>) src(%dma_wait3A_234 : memref<56x1024xf32, #tpu.memory_space<vmem>>) dst(%dma_wait3A_231 : memref<56x1024xf32, #tpu.memory_space<hbm>>)
      tpu.yield
    }) : () -> ()
    %dma_start3A_183 = arith.constant 0 : i32
    %dma_start3A_184 = arith.constant 0 : i32
    %dma_start3A_185 = tpu.memref_slice %arg7[%dma_start3A_183, %dma_start3A_184] : memref<56x1024xf32, #tpu.memory_space<vmem>> -> memref<8x1024xf32, #tpu.memory_space<vmem>>
    %dma_start3A_186 = arith.constant 504 : i32
    %dma_start3A_187 = tpu.memref_slice %arg5[%dma_start3A_186] : memref<512xi32, #tpu.memory_space<vmem>> -> memref<8xi32, #tpu.memory_space<vmem>>
    %dma_start3A_188 = arith.constant 0 : i32
    %dma_start3A_189 = arith.constant 0 : i32
    %dma_start3A_190 = tpu.memref_slice %arg3[%dma_start3A_188, %dma_start3A_189] : memref<100000x1024xf32, #tpu.memory_space<hbm>> -> memref<100000x1024xf32, #tpu.memory_space<hbm>>
    tpu.enqueue_indirect_dma source(%dma_start3A_190 : memref<100000x1024xf32, #tpu.memory_space<hbm>>) target(%dma_start3A_185 : memref<8x1024xf32, #tpu.memory_space<vmem>>) offsets(%dma_start3A_187 : memref<8xi32, #tpu.memory_space<vmem>>) semaphore(%arg9 : memref<!tpu.dma_semaphore, #tpu.memory_space<semaphore_mem>>)
    %dma_wait3A_191 = arith.constant 0 : i32
    %dma_wait3A_192 = arith.constant 0 : i32
    %dma_wait3A_193 = tpu.memref_slice %arg6[%dma_wait3A_191, %dma_wait3A_192] : memref<56x1024xf32, #tpu.memory_space<vmem>> -> memref<56x1024xf32, #tpu.memory_space<vmem>>
    %dma_wait3A_194 = arith.constant 448 : i32
    %dma_wait3A_195 = tpu.memref_slice %arg5[%dma_wait3A_194] : memref<512xi32, #tpu.memory_space<vmem>> -> memref<56xi32, #tpu.memory_space<vmem>>
    %dma_wait3A_196 = arith.constant 0 : i32
    %dma_wait3A_197 = arith.constant 0 : i32
    %dma_wait3A_198 = tpu.memref_slice %arg3[%dma_wait3A_196, %dma_wait3A_197] : memref<100000x1024xf32, #tpu.memory_space<hbm>> -> memref<100000x1024xf32, #tpu.memory_space<hbm>>
    tpu.wait_indirect_dma semaphore(%arg8 : memref<!tpu.dma_semaphore, #tpu.memory_space<semaphore_mem>>) src(%dma_wait3A_198 : memref<100000x1024xf32, #tpu.memory_space<hbm>>) dst(%dma_wait3A_193 : memref<56x1024xf32, #tpu.memory_space<vmem>>)
    %add3A_199 = arith.constant 448 : i32
    %add3A_200 = arith.addi %mul3A_32, %add3A_199 : i32
    "tpu.region"() ({
      %run_scoped3A = tpu.sem_alloc : memref<!tpu.dma_semaphore, #tpu.memory_space<semaphore_mem>>
      %dma_start3A_211 = arith.constant 0 : i32
      %dma_start3A_212 = arith.constant 0 : i32
      %dma_start3A_213 = tpu.memref_slice %arg6[%dma_start3A_211, %dma_start3A_212] : memref<56x1024xf32, #tpu.memory_space<vmem>> -> memref<56x1024xf32, #tpu.memory_space<vmem>>
      %dma_start3A_214 = arith.constant 0 : i32
      %dma_start3A_215 = tpu.memref_slice %arg4[%select_n3A, %add3A_200, %dma_start3A_214] : memref<4x4096x1024xf32, #tpu.memory_space<hbm>> -> memref<1x56x1024xf32, #tpu.memory_space<hbm>>
      %dma_start3A_216 = tpu.memref_squeeze %dma_start3A_215 : memref<1x56x1024xf32, #tpu.memory_space<hbm>> -> memref<56x1024xf32, #tpu.memory_space<hbm>>
      %dma_start3A_217 = arith.constant 0 : i32
      %dma_start3A_218 = tpu.memref_slice %arg4[%select_n3A, %add3A_200, %dma_start3A_217] : memref<4x4096x1024xf32, #tpu.memory_space<hbm>> -> memref<1x56x1024xf32, #tpu.memory_space<hbm>>
      %dma_start3A_219 = tpu.memref_squeeze %dma_start3A_218 : memref<1x56x1024xf32, #tpu.memory_space<hbm>> -> memref<56x1024xf32, #tpu.memory_space<hbm>>
      %dma_start3A_220 = arith.constant 0 : i32
      %dma_start3A_221 = arith.constant 0 : i32
      %dma_start3A_222 = tpu.memref_slice %arg6[%dma_start3A_220, %dma_start3A_221] : memref<56x1024xf32, #tpu.memory_space<vmem>> -> memref<56x1024xf32, #tpu.memory_space<vmem>>
      tpu.enqueue_dma source(%dma_start3A_222 : memref<56x1024xf32, #tpu.memory_space<vmem>>) target(%dma_start3A_219 : memref<56x1024xf32, #tpu.memory_space<hbm>>) target_semaphore(%run_scoped3A : memref<!tpu.dma_semaphore, #tpu.memory_space<semaphore_mem>>)
      %dma_wait3A_223 = arith.constant 0 : i32
      %dma_wait3A_224 = arith.constant 0 : i32
      %dma_wait3A_225 = tpu.memref_slice %arg6[%dma_wait3A_223, %dma_wait3A_224] : memref<56x1024xf32, #tpu.memory_space<vmem>> -> memref<56x1024xf32, #tpu.memory_space<vmem>>
      %dma_wait3A_226 = arith.constant 0 : i32
      %dma_wait3A_227 = tpu.memref_slice %arg4[%select_n3A, %add3A_200, %dma_wait3A_226] : memref<4x4096x1024xf32, #tpu.memory_space<hbm>> -> memref<1x56x1024xf32, #tpu.memory_space<hbm>>
      %dma_wait3A_228 = tpu.memref_squeeze %dma_wait3A_227 : memref<1x56x1024xf32, #tpu.memory_space<hbm>> -> memref<56x1024xf32, #tpu.memory_space<hbm>>
      %dma_wait3A_229 = arith.constant 0 : i32
      %dma_wait3A_230 = tpu.memref_slice %arg4[%select_n3A, %add3A_200, %dma_wait3A_229] : memref<4x4096x1024xf32, #tpu.memory_space<hbm>> -> memref<1x56x1024xf32, #tpu.memory_space<hbm>>
      %dma_wait3A_231 = tpu.memref_squeeze %dma_wait3A_230 : memref<1x56x1024xf32, #tpu.memory_space<hbm>> -> memref<56x1024xf32, #tpu.memory_space<hbm>>
      %dma_wait3A_232 = arith.constant 0 : i32
      %dma_wait3A_233 = arith.constant 0 : i32
      %dma_wait3A_234 = tpu.memref_slice %arg6[%dma_wait3A_232, %dma_wait3A_233] : memref<56x1024xf32, #tpu.memory_space<vmem>> -> memref<56x1024xf32, #tpu.memory_space<vmem>>
      tpu.wait_dma2 semaphore(%run_scoped3A : memref<!tpu.dma_semaphore, #tpu.memory_space<semaphore_mem>>) src(%dma_wait3A_234 : memref<56x1024xf32, #tpu.memory_space<vmem>>) dst(%dma_wait3A_231 : memref<56x1024xf32, #tpu.memory_space<hbm>>)
      tpu.yield
    }) : () -> ()
    %dma_wait3A_201 = arith.constant 0 : i32
    %dma_wait3A_202 = arith.constant 0 : i32
    %dma_wait3A_203 = tpu.memref_slice %arg7[%dma_wait3A_201, %dma_wait3A_202] : memref<56x1024xf32, #tpu.memory_space<vmem>> -> memref<8x1024xf32, #tpu.memory_space<vmem>>
    %dma_wait3A_204 = arith.constant 504 : i32
    %dma_wait3A_205 = tpu.memref_slice %arg5[%dma_wait3A_204] : memref<512xi32, #tpu.memory_space<vmem>> -> memref<8xi32, #tpu.memory_space<vmem>>
    %dma_wait3A_206 = arith.constant 0 : i32
    %dma_wait3A_207 = arith.constant 0 : i32
    %dma_wait3A_208 = tpu.memref_slice %arg3[%dma_wait3A_206, %dma_wait3A_207] : memref<100000x1024xf32, #tpu.memory_space<hbm>> -> memref<100000x1024xf32, #tpu.memory_space<hbm>>
    tpu.wait_indirect_dma semaphore(%arg9 : memref<!tpu.dma_semaphore, #tpu.memory_space<semaphore_mem>>) src(%dma_wait3A_208 : memref<100000x1024xf32, #tpu.memory_space<hbm>>) dst(%dma_wait3A_203 : memref<8x1024xf32, #tpu.memory_space<vmem>>)
    %add3A_209 = arith.constant 504 : i32
    %add3A_210 = arith.addi %mul3A_32, %add3A_209 : i32
    "tpu.region"() ({
      %run_scoped3A = tpu.sem_alloc : memref<!tpu.dma_semaphore, #tpu.memory_space<semaphore_mem>>
      %dma_start3A_211 = arith.constant 0 : i32
      %dma_start3A_212 = arith.constant 0 : i32
      %dma_start3A_213 = tpu.memref_slice %arg7[%dma_start3A_211, %dma_start3A_212] : memref<56x1024xf32, #tpu.memory_space<vmem>> -> memref<8x1024xf32, #tpu.memory_space<vmem>>
      %dma_start3A_214 = arith.constant 0 : i32
      %dma_start3A_215 = tpu.memref_slice %arg4[%select_n3A, %add3A_210, %dma_start3A_214] : memref<4x4096x1024xf32, #tpu.memory_space<hbm>> -> memref<1x8x1024xf32, #tpu.memory_space<hbm>>
      %dma_start3A_216 = tpu.memref_squeeze %dma_start3A_215 : memref<1x8x1024xf32, #tpu.memory_space<hbm>> -> memref<8x1024xf32, #tpu.memory_space<hbm>>
      %dma_start3A_217 = arith.constant 0 : i32
      %dma_start3A_218 = tpu.memref_slice %arg4[%select_n3A, %add3A_210, %dma_start3A_217] : memref<4x4096x1024xf32, #tpu.memory_space<hbm>> -> memref<1x8x1024xf32, #tpu.memory_space<hbm>>
      %dma_start3A_219 = tpu.memref_squeeze %dma_start3A_218 : memref<1x8x1024xf32, #tpu.memory_space<hbm>> -> memref<8x1024xf32, #tpu.memory_space<hbm>>
      %dma_start3A_220 = arith.constant 0 : i32
      %dma_start3A_221 = arith.constant 0 : i32
      %dma_start3A_222 = tpu.memref_slice %arg7[%dma_start3A_220, %dma_start3A_221] : memref<56x1024xf32, #tpu.memory_space<vmem>> -> memref<8x1024xf32, #tpu.memory_space<vmem>>
      tpu.enqueue_dma source(%dma_start3A_222 : memref<8x1024xf32, #tpu.memory_space<vmem>>) target(%dma_start3A_219 : memref<8x1024xf32, #tpu.memory_space<hbm>>) target_semaphore(%run_scoped3A : memref<!tpu.dma_semaphore, #tpu.memory_space<semaphore_mem>>)
      %dma_wait3A_223 = arith.constant 0 : i32
      %dma_wait3A_224 = arith.constant 0 : i32
      %dma_wait3A_225 = tpu.memref_slice %arg7[%dma_wait3A_223, %dma_wait3A_224] : memref<56x1024xf32, #tpu.memory_space<vmem>> -> memref<8x1024xf32, #tpu.memory_space<vmem>>
      %dma_wait3A_226 = arith.constant 0 : i32
      %dma_wait3A_227 = tpu.memref_slice %arg4[%select_n3A, %add3A_210, %dma_wait3A_226] : memref<4x4096x1024xf32, #tpu.memory_space<hbm>> -> memref<1x8x1024xf32, #tpu.memory_space<hbm>>
      %dma_wait3A_228 = tpu.memref_squeeze %dma_wait3A_227 : memref<1x8x1024xf32, #tpu.memory_space<hbm>> -> memref<8x1024xf32, #tpu.memory_space<hbm>>
      %dma_wait3A_229 = arith.constant 0 : i32
      %dma_wait3A_230 = tpu.memref_slice %arg4[%select_n3A, %add3A_210, %dma_wait3A_229] : memref<4x4096x1024xf32, #tpu.memory_space<hbm>> -> memref<1x8x1024xf32, #tpu.memory_space<hbm>>
      %dma_wait3A_231 = tpu.memref_squeeze %dma_wait3A_230 : memref<1x8x1024xf32, #tpu.memory_space<hbm>> -> memref<8x1024xf32, #tpu.memory_space<hbm>>
      %dma_wait3A_232 = arith.constant 0 : i32
      %dma_wait3A_233 = arith.constant 0 : i32
      %dma_wait3A_234 = tpu.memref_slice %arg7[%dma_wait3A_232, %dma_wait3A_233] : memref<56x1024xf32, #tpu.memory_space<vmem>> -> memref<8x1024xf32, #tpu.memory_space<vmem>>
      tpu.wait_dma2 semaphore(%run_scoped3A : memref<!tpu.dma_semaphore, #tpu.memory_space<semaphore_mem>>) src(%dma_wait3A_234 : memref<8x1024xf32, #tpu.memory_space<vmem>>) dst(%dma_wait3A_231 : memref<8x1024xf32, #tpu.memory_space<hbm>>)
      tpu.yield
    }) : () -> ()
    return
  }
}

</mosaic_0001>

<sc_bundles>
// kernel: kernel.3.cloned.1.call-start
scs
__scs_entry_jumppad:
0x0: {  	(pc) =	sbr.rel $0x88, $3  }
0x1: {  	(tag) =	ssettag $0x0;
	lr =	simm.s32 $0x1  }
0x2: {  	[smem:$0x3F9F] =	sst lr;
	_ =	strace $0xD0000000  }
0x3: {  	_ = 	snop  }
0x4: {  	_ = 	snop  }
0x5: {  	_ = 	snop  }
0x6: {  	_ = 	snop  }
0x7: {  	_ = 	snop  }
__scs_overlays_trampoline_lowered:
0x8: {  	[smem:$0x3FAE] =	sst s0  }
0x9: {  	[smem:$0x3FAF] =	sst s1  }
0xa: {  	[smem:$0x3FB0] =	sst s2  }
0xb: {  	[smem:$0x3FB1] =	sst s3  }
0xc: {  	[smem:$0x3FB2] =	sst s4  }
0xd: {  	[smem:$0x3FB3] =	sst s5  }
0xe: {  	[smem:$0x3FB4] =	sst s6  }
0xf: {  	[smem:$0x3FB5] =	sst s7  }
0x10: {  	[smem:$0x3FB6] =	sst s8  }
0x11: {  	[smem:$0x3FB7] =	sst s9;
	s0 =	simm.s32 @!p0 $0x0  }
0x12: {  	s1 =	sld [smem:$0x3F9D];
	s0 =	simm.s32 @p0 $0x1  }
0x13: {  	[smem:$0x3FB8] =	sst s0;
	s0 =	simm.s32 @!p1 $0x0  }
0x14: {  	s2 =	sld [smem:$0x3F9C];
	s0 =	simm.s32 @p1 $0x1  }
0x15: {  	[smem:$0x3FB9] =	sst s0;
	s0 =	simm.s32 @!p2 $0x0  }
0x16: {  	s3 =	sld [smem:$0x3FDB];
	s0 =	simm.s32 @p2 $0x1  }
0x17: {  	s4 =	simm.s32 $0x1BF5;
	[smem:$0x3FBB] =	sst s0  }
0x18: {  	s0 =	sld [smem:$0x3F9E];
	_ =	swait.ge [sflag:s4], $0x0  }
0x19: {  	s7 =	sld [smem:$0x3F9F]  }
0x1a: {  	s8 =	sadd.s32 $0xFFFFE003, lr  }
0x1b: {  	s9 =	sadd.s32 $0xFFFFFEF7, lr;
	s5 =	simm.s32 $0xFFFFFFFF;
	p2 =	slt.u32 s8, $0xFFFFF086  }
0x1c: {  	p1 =	slt.u32 s9, $0xF7A;
	s5 =	simm.s32 @!p2 $0x0  }
0x1d: {  	s5 =	simm.s32 @p1 $0x1;
	p0 =	seq.s32 s7, s2  }
0x1e: {  	s7 =	smul.u32 @!p0 $0xF7A, s2;
	p2 =	seq.s32 @!p0 s5, $0x0  }
0x1f: {  	s9 =	smul.u32 $0xF7A, s1;
	s8 =	simm.s32 @!p0 $0x1BF5;
	p2 =	por !p2, p0  }
0x20: {  	[sflag:s8] =	ssyncset.s32 @!p0 $0xFFFFF086;
	s6 =	sadd.s32 @!p0 s3, s7;
	s7 =	simm.s32 @!p0 $0x108  }
0x21: {  	s3 =	sadd.s32 s3, s9;
	s6 =	sadd.s32 @!p0 $0x88, s6;
	s7 =	simm.s32 @p2 $0x1082  }
0x22: {  	[simem:s7], [sflag:s8] =	dma.local @!p0 [hbm:s6], $0xF7A  }
0x23: {  	s9 =	sor.u32 $0xD0000000, s2;
	s6 =	simm.s32 $0x108;
	_ =	swait.ge @!p0 [sflag:s8], $0x0  }
0x24: {  	s3 =	sadd.s32 $0x88, s3;
	s6 =	simm.s32 @!p1 $0x1082;
	[sflag:s4] =	ssyncset.s32 $0xFFFFF086  }
0x25: {  	[simem:s6], [sflag:s4] =	dma.local [hbm:s3], $0xF7A  }
0x26: {  	[smem:$0x3F9F] =	sst s1;
	(tag) =	ssettag s2;
	_ =	strace s9  }
0x27: {  	s1 =	sld [smem:$0x3FAF]  }
0x28: {  	s2 =	sld [smem:$0x3FB0]  }
0x29: {  	s4 =	sld [smem:$0x3FB2]  }
0x2a: {  	p0 =	seq.s32 s5, $0x0;
	s5 =	sld [smem:$0x3FB3]  }
0x2b: {  	s6 =	sld [smem:$0x3FB4]  }
0x2c: {  	s7 =	sld [smem:$0x3FB5]  }
0x2d: {  	s3 =	simm.s32 $0x108;
	s8 =	sld [smem:$0x3FB6]  }
0x2e: {  	s3 =	simm.s32 @!p0 $0x1082;
	s9 =	sld [smem:$0x3FB7]  }
0x2f: {  	lr =	sadd.s32 s0, s3;
	s0 =	sld [smem:$0x3FAE]  }
0x30: {  	s3 =	sld [smem:$0x3FB1]  }
0x31: {  	[smem:$0x3FBA] =	sst s10  }
0x32: {  	s10 =	sld [smem:$0x3FB8];
	_ =	sdelay $0x3  }
0x33: {  	p0 =	seq.s32 s10, $0x1;
	s10 =	sld [smem:$0x3FBA];
	_ =	sdelay $0x3  }
0x34: {  	[smem:$0x3FBA] =	sst s10  }
0x35: {  	s10 =	sld [smem:$0x3FB9];
	_ =	sdelay $0x3  }
0x36: {  	p1 =	seq.s32 s10, $0x1;
	s10 =	sld [smem:$0x3FBA];
	_ =	sdelay $0x3  }
0x37: {  	[smem:$0x3FBA] =	sst s10  }
0x38: {  	s10 =	sld [smem:$0x3FBB]  }
0x39: {  	_ = 	snop;
	(pc) =	sbr.ind lr, $3  }
0x3a: {  	_ = 	snop  }
0x3b: {  	_ = 	snop  }
0x3c: {  	p2 =	seq.s32 s10, $0x1;
	s10 =	sld [smem:$0x3FBA]  }
0x3d: {  	_ =	shalt  }
0x3e: {  	_ =	shalt  }
0x3f: {  	_ =	shalt  }
0x40: {  	_ =	shalt  }
0x41: {  	_ =	shalt  }
0x42: {  	_ =	shalt  }
0x43: {  	_ =	shalt  }
0x44: {  	_ =	shalt  }
0x45: {  	_ =	shalt  }
0x46: {  	_ =	shalt  }
0x47: {  	_ =	shalt  }
0x48: {  	_ =	shalt  }
0x49: {  	_ =	shalt  }
0x4a: {  	_ =	shalt  }
0x4b: {  	_ =	shalt  }
0x4c: {  	_ =	shalt  }
0x4d: {  	_ =	shalt  }
0x4e: {  	_ =	shalt  }
0x4f: {  	_ =	shalt  }
0x50: {  	_ =	shalt  }
0x51: {  	_ =	shalt  }
0x52: {  	_ =	shalt  }
0x53: {  	_ =	shalt  }
0x54: {  	_ =	shalt  }
0x55: {  	_ =	shalt  }
0x56: {  	_ =	shalt  }
0x57: {  	_ =	shalt  }
0x58: {  	_ =	shalt  }
0x59: {  	_ =	shalt  }
0x5a: {  	_ =	shalt  }
0x5b: {  	_ =	shalt  }
0x5c: {  	_ =	shalt  }
0x5d: {  	_ =	shalt  }
0x5e: {  	_ =	shalt  }
0x5f: {  	_ =	shalt  }
0x60: {  	_ =	shalt  }
0x61: {  	_ =	shalt  }
0x62: {  	_ =	shalt  }
0x63: {  	_ =	shalt  }
0x64: {  	_ =	shalt  }
0x65: {  	_ =	shalt  }
0x66: {  	_ =	shalt  }
0x67: {  	_ =	shalt  }
0x68: {  	_ =	shalt  }
0x69: {  	_ =	shalt  }
0x6a: {  	_ =	shalt  }
0x6b: {  	_ =	shalt  }
0x6c: {  	_ =	shalt  }
0x6d: {  	_ =	shalt  }
0x6e: {  	_ =	shalt  }
0x6f: {  	_ =	shalt  }
0x70: {  	_ =	shalt  }
0x71: {  	_ =	shalt  }
0x72: {  	_ =	shalt  }
0x73: {  	_ =	shalt  }
0x74: {  	_ =	shalt  }
0x75: {  	_ =	shalt  }
0x76: {  	_ =	shalt  }
0x77: {  	_ =	shalt  }
0x78: {  	_ =	shalt  }
0x79: {  	_ =	shalt  }
0x7a: {  	_ =	shalt  }
0x7b: {  	_ =	shalt  }
0x7c: {  	_ =	shalt  }
0x7d: {  	_ =	shalt  }
0x7e: {  	_ =	shalt  }
0x7f: {  	_ =	shalt  }
0x80: {  	_ =	shalt  }
0x81: {  	_ =	shalt  }
0x82: {  	_ =	shalt  }
0x83: {  	_ =	shalt  }
0x84: {  	_ =	shalt  }
0x85: {  	_ =	shalt  }
0x86: {  	_ =	shalt  }
0x87: {  	_ =	shalt  }
.Lfunc_end0:
.L_simem_size_0:
called_computation_lowered:
.L_overlay_start_0:
0x88: {  	s2 =	sld [smem:$0x3FD9]  }
0x89: {  	s3 =	sld [smem:$0x3FFE];
	_ =	sdelay $0x1  }
0x8a: {  	s1 =	srdreg.scid  }
0x8b: {  	s0 =	sand.u32 $0x1, s1  }
0x8c: {  	s18 =	sshll.u32 s0, $0xA;
	s2 =	sadd.s32 s3, s2  }
0x8d: {  	s2 =	sadd.s32 s2, s18  }
0x8e: {  	[smem:$0x3FC6] =	sst s2  }
0x8f: {  	_ = 	snop  }
0x90: {  	s2 =	sld [smem:$0x3FC9]  }
0x91: {  	s19 =	sld [smem:$0x3FC8]  }
0x92: {  	s4 =	sld [smem:$0x3FD0];
	(tm) =	ssettm $0x1  }
0x93: {  	s5 =	sld [smem:$0x3FFB];
	_ =	sdelay $0x3  }
0x94: {  	_ =	strace s5  }
0x95: {  	s5 =	sld [smem:$0x3FFC];
	_ =	sdelay $0x3  }
0x96: {  	_ =	strace s5  }
0x97: {  	s5 =	sld [smem:$0x3FFD];
	_ =	sdelay $0x3  }
0x98: {  	_ =	strace s5  }
0x99: {  	_ =	strace $0x8FFFFFFF  }
0x9a: {  	s20 =	sld [smem:$0x3FDB];
	_ =	sdelay $0x1  }
0x9b: {  	s6 =	simm.s32 $_scs_section_size  }
0x9c: {  	s7 =	simm.s32 $_size__tile_overlayer_lowered;
	s8 =	simm.s32 $_tile_overlayer_lowered  }
0x9d: {  	s23 =	simm.s32 $0x1BFF;
	s22 =	sshll.u32 s8, $0x1;
	s5 =	sadd.s32 s6, s20  }
0x9e: {  	s9 =	simm.s32 $0x0;
	s21 =	sshll.u32 s7, $0x1;
	s7 =	sadd.s32 s22, s5  }
0x9f: {  	[timem:s9], [sflag:s23] =	dma.local [hbm:s7], s21  }
0xa0: {  	_ =	swait.ge [sflag:s23], s21  }
0xa1: {  	s6 =	ssub.s32 $0x0, s21;
	[sflag:s23] =	ssyncset.done $0x0  }
0xa2: {  	[sflag:s23] =	ssyncadd.s32 s6;
	_ =	sdelay $0x1  }
0xa3: {  	s24 =	simm.s32 $0x1B8B  }
0xa4: {  	_ =	swait.ge [sflag:s24], $0x1  }
0xa5: {  	[sflag:s24] =	ssyncset.done $0x0  }
0xa6: {  	s25 =	simm.s32 $0x1B8E;
	[sflag:s24] =	ssyncadd.s32 $0xFFFFFFFF  }
0xa7: {  	s26 =	simm.s32 $execute0_lowered;
	[smem:$0x3FD2] =	sst s25  }
0xa8: {  	s6 =	sshll.u32 s26, $0x1;
	_ =	strace $0x80000046;
	[dreg:$0x1] =	wrdreg $0xFFFFFFFF  }
0xa9: {  	s28 =	simm.s32 $_size_execute0_lowered;
	s5 =	sadd.s32 s5, s6;
	[dreg:$0x0] =	wrdreg $0x0  }
0xaa: {  	s6 =	sshll.u32 s28, $0x1;
	[dreg:$0x2] =	wrdreg s5  }
0xab: {  	[dreg:$0x3] =	wrdreg s6  }
0xac: {  	[dreg:$0x4] =	wrdreg $0xC0  }
0xad: {  	_ =	task [dreg:s9], $0x5FFFF  }
0xae: {  	[dreg:$0x1] =	wrdreg $0xFFFFFFFF  }
0xaf: {  	[dreg:$0x0] =	wrdreg $0x60  }
0xb0: {  	[dreg:$0x2] =	wrdreg s2  }
0xb1: {  	[dreg:$0x3] =	wrdreg s19  }
0xb2: {  	[dreg:$0x4] =	wrdreg s4  }
0xb3: {  	[dreg:$0x5] =	wrdreg $0x9  }
0xb4: {  	_ =	task.clear_ibuf [dreg:s9], $0x6FFFF;
	_ =	strace $0x90000046  }
0xb5: {  	s29 =	simm.s32 $0x9;
	_ =	strace $0x80000048  }
0xb6: {  	_ =	swait.ge [sflag:s29], $0x1  }
0xb7: {  	[sflag:s29] =	ssyncadd.s32 $0xFFFFFFFF  }
0xb8: {  	_ =	strace $0x90000048  }
0xb9: {  	_ =	sfence  }
0xba: {  	s30 =	sld [smem:$0x0];
	_ =	sdelay $0x2  }
0xbb: {  	s31 =	sshll.u32 s1, $0xD;
	s1 =	sshrl.u32 s1, $0x2  }
0xbc: {  	s3 =	sand.u32 $0x4000, s31;
	s1 =	sadd.s32 s1, s30  }
0xbd: {  	s0 =	sor.u32 s3, s0;
	s1 =	sshll.u32 s1, $0x11  }
0xbe: {  	s0 =	sor.u32 s1, s0  }
0xbf: {  	s0 =	sadd.s32 $0x8F2B, s0  }
0xc0: {  	[sflag:s0] =	ssyncadd.remote.s32 $0x1  }
0xc1: {  	_ =	sfence.sel $0xFFFF  }
0xc2: {  	[dreg:$0x0] =	wrdreg $0xFFFFFFFF;
	(pc) =	sbr.abs _section_cstart, $3  }
0xc3: {  	[dreg:$0x1] =	wrdreg $0xFFFFFFFF  }
0xc4: {  	_ =	task.clear_ibuf [dreg:s9], $0x2FFFF;
	_ =	strace $0x9FFFFFFF  }
0xc5: {  	(tm) =	ssettm $0x7FFFFFFF  }
tec
execute0_lowered:
.L_overlay_start_1:
0x0: {  	(tag) =	ssettag $0x1  }
0x1: {  	s0 =	rddreg [dreg:$0x0]  }
0x2: {  	s2 =	rddreg [dreg:$0x1]  }
0x3: {  	s1 =	rddreg [dreg:$0x2];
	s6 =	stileid.u32  }
0x4: {  	s4 =	srdreg.scid;
	s3 =	simm.s32 $0x0;
	s31 =	simm.s32 $0x80  }
0x5: {  	s5 =	sshll.u32 s6, $0x1;
	s4 =	sand.u32 $0x1, s4;
	s6 =	sshrl.u32 s6, $0x2  }
0x6: {  	[smem:$0x7FF] =	sst s3;
	s5 =	sand.u32 $0x6, s5;
	s8 =	sshll.u32 s6, $0x4  }
0x7: {  	s6 =	sshll.u32 s6, $0x13;
	_ =	strace $0x80000047;
	s5 =	sor.u32 s4, s5  }
0x8: {  	s0 =	sadd.s32 s0, s8;
	s7 =	sshll.u32 s5, $0x10;
	s5 =	sshll.u32 s5, $0x8  }
0x9: {  	[dreg:$0xe] =	wrdreg s31;
	s6 =	sor.u32 s6, s7;
	s0 =	sadd.s32 s5, s0  }
0xa: {  	s19 =	sadd.s32 s1, s6;
	[dreg:$0x4] =	wrdreg s0  }
0xb: {  	s10 =	simm.s32 $0x3;
	s20 =	sadd.s32 $0x1C00, s19;
	[dreg:$0xf] =	wrdreg s19  }
0xc: {  	s9 =	simm.s32 $0xE200;
	s21 =	sadd.s32 $0x3800, s19;
	[dreg:$0x5] =	wrdreg s20  }
0xd: {  	s23 =	ssub.s32 $0x2, s4;
	s22 =	sadd.s32 $0x5400, s19;
	[dreg:$0x6] =	wrdreg s21  }
0xe: {  	s4 =	sshrl.u32 s23, $0x1;
	s24 =	sadd.s32 $0x7000, s19;
	[dreg:$0x7] =	wrdreg s22  }
0xf: {  	s5 =	sadd.s32 $0x100, s2;
	s25 =	sadd.s32 $0x8C00, s19;
	[dreg:$0x8] =	wrdreg s24  }
0x10: {  	s7 =	sadd.s32 $0x300, s2;
	s26 =	sadd.s32 $0xA800, s19;
	[dreg:$0x9] =	wrdreg s25  }
0x11: {  	s1 =	ssub.s32 s23, s4;
	s28 =	sadd.s32 $0xC400, s19;
	[dreg:$0xa] =	wrdreg s26  }
0x12: {  	v2 =	vlaneseq.u32;
	s6 =	sadd.s32 $0x200, s2;
	s29 =	sadd.s32 $0xE000, s19;
	[dreg:$0xb] =	wrdreg s28  }
0x13: {  	vm0 =	vmmov $0xffff;
	v1 =	vshrl.u32 v2, $0x3;
	s30 =	sadd.s32 $0xFC00, s19;
	s8 =	smax.u32 s1, $0x1;
	[dreg:$0xc] =	wrdreg s29  }
0x14: {  	v0 =	vand.u32 $0x7, v2;
	v2 =	vor.u32 $0x8, v2;
	v1 =	vmul.u32 $0x8, v1;
	s19 =	simm.s32 $0x1;
	[dreg:$0xd] =	wrdreg s30;
	s20 =	simm.s32 $0x2  }
.LBB2_1:
0x15: {  	s21 =	rddreg [dreg:$0x4]  }
0x16: {  	s22 =	rddreg [dreg:$0xe];
	s0 =	simm.s32 $0x200  }
0x17: {  	[tilespmem:s3], [sflag:$0x3] =	stream.strided.gather [hbm4b:s21+s22], $0x200, s0, s22, $0x38;
	[tilespmem:$0x1C200] =	vst v63  }
0x18: {  	_ =	swait.ge [sflag:s10], $0x200  }
0x19: {  	[sflag:s10] =	ssyncset.done $0x0  }
0x1a: {  	[sflag:s10] =	ssyncadd.s32 $0xFFFFFE00  }
0x1b: {  	v3 =	vld [tilespmem:$0x0];
	_ =	sdelay $0x4  }
0x1c: {  	v4 =	vshll.u32 v3, $0x3  }
0x1d: {  	v3 =	vand.u32 $0x7, v3;
	v4 =	vand.u32 $0xFFFFFFC0, v4  }
0x1e: {  	v3 =	vor.u32 v3, v4  }
0x1f: {  	v4 =	vperm.xlane v3, v0;
	_ =	sdelay $0x1  }
0x20: {  	v4 =	vadd.s32 v1, v4;
	_ =	sdelay $0x3  }
0x21: {  	s17 =	simm.s32 $0x200  }
0x22: {  	[tilespmem:s17], [sflag:$0x1] =	stream.indirect_vreg.gather [hbm4b:s2+s3], $0x80, v4, vm0, $0xb8;
	[tilespmem:$0x1C200] =	vst v63  }
0x23: {  	s18 =	simm.s32 $0xA00;
	v3 =	vperm.xlane v3, v2  }
0x24: {  	[tilespmem:s18], [sflag:$0x1] =	stream.indirect_vreg.gather [hbm4b:s5+s3], $0x80, v4, vm0, $0xb8;
	[tilespmem:$0x1C200] =	vst v63  }
0x25: {  	s21 =	simm.s32 $0x1200;
	v3 =	vadd.s32 v1, v3  }
0x26: {  	[tilespmem:s21], [sflag:$0x1] =	stream.indirect_vreg.gather [hbm4b:s6+s3], $0x80, v4, vm0, $0xb8;
	[tilespmem:$0x1C200] =	vst v63  }
0x27: {  	s22 =	simm.s32 $0x1A00  }
0x28: {  	[tilespmem:s22], [sflag:$0x1] =	stream.indirect_vreg.gather [hbm4b:s7+s3], $0x80, v4, vm0, $0xb8;
	[tilespmem:$0x1C200] =	vst v63  }
0x29: {  	s23 =	simm.s32 $0x2200  }
0x2a: {  	[tilespmem:s23], [sflag:$0x1] =	stream.indirect_vreg.gather [hbm4b:s2+s3], $0x80, v3, vm0, $0xb8;
	[tilespmem:$0x1C200] =	vst v63  }
0x2b: {  	s24 =	simm.s32 $0x2A00  }
0x2c: {  	[tilespmem:s24], [sflag:$0x1] =	stream.indirect_vreg.gather [hbm4b:s5+s3], $0x80, v3, vm0, $0xb8;
	[tilespmem:$0x1C200] =	vst v63  }
0x2d: {  	s25 =	simm.s32 $0x3200  }
0x2e: {  	[tilespmem:s25], [sflag:$0x1] =	stream.indirect_vreg.gather [hbm4b:s6+s3], $0x80, v3, vm0, $0xb8;
	[tilespmem:$0x1C200] =	vst v63  }
0x2f: {  	s26 =	simm.s32 $0x3A00  }
0x30: {  	[tilespmem:s26], [sflag:$0x1] =	stream.indirect_vreg.gather [hbm4b:s7+s3], $0x80, v3, vm0, $0xb8;
	[tilespmem:$0x1C200] =	vst v63  }
0x31: {  	v3 =	vld [tilespmem:$0x10];
	_ =	sdelay $0x4  }
0x32: {  	v28 =	vshll.u32 v3, $0x3  }
0x33: {  	v3 =	vand.u32 $0x7, v3;
	v4 =	vand.u32 $0xFFFFFFC0, v28  }
0x34: {  	v3 =	vor.u32 v3, v4  }
0x35: {  	v4 =	vperm.xlane v3, v0;
	_ =	sdelay $0x1  }
0x36: {  	v4 =	vadd.s32 v1, v4;
	_ =	sdelay $0x3  }
0x37: {  	s28 =	simm.s32 $0x4200  }
0x38: {  	[tilespmem:s28], [sflag:$0x1] =	stream.indirect_vreg.gather [hbm4b:s2+s3], $0x80, v4, vm0, $0xb8;
	[tilespmem:$0x1C200] =	vst v63  }
0x39: {  	s29 =	simm.s32 $0x4A00;
	v3 =	vperm.xlane v3, v2  }
0x3a: {  	[tilespmem:s29], [sflag:$0x1] =	stream.indirect_vreg.gather [hbm4b:s5+s3], $0x80, v4, vm0, $0xb8;
	[tilespmem:$0x1C200] =	vst v63  }
0x3b: {  	s30 =	simm.s32 $0x5200;
	v3 =	vadd.s32 v1, v3  }
0x3c: {  	[tilespmem:s30], [sflag:$0x1] =	stream.indirect_vreg.gather [hbm4b:s6+s3], $0x80, v4, vm0, $0xb8;
	[tilespmem:$0x1C200] =	vst v63  }
0x3d: {  	s31 =	simm.s32 $0x5A00  }
0x3e: {  	[tilespmem:s31], [sflag:$0x1] =	stream.indirect_vreg.gather [hbm4b:s7+s3], $0x80, v4, vm0, $0xb8;
	[tilespmem:$0x1C200] =	vst v63  }
0x3f: {  	s11 =	simm.s32 $0x6200  }
0x40: {  	[tilespmem:s11], [sflag:$0x1] =	stream.indirect_vreg.gather [hbm4b:s2+s3], $0x80, v3, vm0, $0xb8;
	[tilespmem:$0x1C200] =	vst v63  }
0x41: {  	s13 =	simm.s32 $0x6A00  }
0x42: {  	[tilespmem:s13], [sflag:$0x1] =	stream.indirect_vreg.gather [hbm4b:s5+s3], $0x80, v3, vm0, $0xb8;
	[tilespmem:$0x1C200] =	vst v63  }
0x43: {  	s15 =	simm.s32 $0x7200  }
0x44: {  	[tilespmem:s15], [sflag:$0x1] =	stream.indirect_vreg.gather [hbm4b:s6+s3], $0x80, v3, vm0, $0xb8;
	[tilespmem:$0x1C200] =	vst v63  }
0x45: {  	s17 =	simm.s32 $0x7A00  }
0x46: {  	[tilespmem:s17], [sflag:$0x1] =	stream.indirect_vreg.gather [hbm4b:s7+s3], $0x80, v3, vm0, $0xb8;
	[tilespmem:$0x1C200] =	vst v63  }
0x47: {  	v3 =	vld [tilespmem:$0x20];
	_ =	sdelay $0x4  }
0x48: {  	v29 =	vshll.u32 v3, $0x3  }
0x49: {  	v3 =	vand.u32 $0x7, v3;
	v4 =	vand.u32 $0xFFFFFFC0, v29  }
0x4a: {  	v3 =	vor.u32 v3, v4  }
0x4b: {  	v4 =	vperm.xlane v3, v0;
	_ =	sdelay $0x1  }
0x4c: {  	v4 =	vadd.s32 v1, v4;
	_ =	sdelay $0x3  }
0x4d: {  	s18 =	simm.s32 $0x8200  }
0x4e: {  	[tilespmem:s18], [sflag:$0x1] =	stream.indirect_vreg.gather [hbm4b:s2+s3], $0x80, v4, vm0, $0xb8;
	[tilespmem:$0x1C200] =	vst v63  }
0x4f: {  	s21 =	simm.s32 $0x8A00;
	v3 =	vperm.xlane v3, v2  }
0x50: {  	[tilespmem:s21], [sflag:$0x1] =	stream.indirect_vreg.gather [hbm4b:s5+s3], $0x80, v4, vm0, $0xb8;
	[tilespmem:$0x1C200] =	vst v63  }
0x51: {  	s22 =	simm.s32 $0x9200;
	v3 =	vadd.s32 v1, v3  }
0x52: {  	[tilespmem:s22], [sflag:$0x1] =	stream.indirect_vreg.gather [hbm4b:s6+s3], $0x80, v4, vm0, $0xb8;
	[tilespmem:$0x1C200] =	vst v63  }
0x53: {  	s23 =	simm.s32 $0x9A00  }
0x54: {  	[tilespmem:s23], [sflag:$0x1] =	stream.indirect_vreg.gather [hbm4b:s7+s3], $0x80, v4, vm0, $0xb8;
	[tilespmem:$0x1C200] =	vst v63  }
0x55: {  	s28 =	simm.s32 $0xA200  }
0x56: {  	[tilespmem:s28], [sflag:$0x1] =	stream.indirect_vreg.gather [hbm4b:s2+s3], $0x80, v3, vm0, $0xb8;
	[tilespmem:$0x1C200] =	vst v63  }
0x57: {  	s29 =	simm.s32 $0xAA00  }
0x58: {  	[tilespmem:s29], [sflag:$0x1] =	stream.indirect_vreg.gather [hbm4b:s5+s3], $0x80, v3, vm0, $0xb8;
	[tilespmem:$0x1C200] =	vst v63  }
0x59: {  	s30 =	simm.s32 $0xB200  }
0x5a: {  	[tilespmem:s30], [sflag:$0x1] =	stream.indirect_vreg.gather [hbm4b:s6+s3], $0x80, v3, vm0, $0xb8;
	[tilespmem:$0x1C200] =	vst v63  }
0x5b: {  	s31 =	simm.s32 $0xBA00  }
0x5c: {  	[tilespmem:s31], [sflag:$0x1] =	stream.indirect_vreg.gather [hbm4b:s7+s3], $0x80, v3, vm0, $0xb8;
	[tilespmem:$0x1C200] =	vst v63  }
0x5d: {  	v3 =	vld.msk [tilespmem:$0x30], $0xff;
	_ =	sdelay $0x4  }
0x5e: {  	v30 =	vshll.u32 v3, $0x3  }
0x5f: {  	v3 =	vand.u32 $0x7, v3;
	v4 =	vand.u32 $0xFFFFFFC0, v30  }
0x60: {  	v3 =	vor.u32 v3, v4  }
0x61: {  	v3 =	vperm.xlane v3, v0;
	_ =	sdelay $0x1  }
0x62: {  	v3 =	vadd.s32 v1, v3;
	_ =	sdelay $0x3  }
0x63: {  	s11 =	simm.s32 $0xC200  }
0x64: {  	[tilespmem:s11], [sflag:$0x1] =	stream.indirect_vreg.gather [hbm4b:s2+s3], $0x80, v3, vm0, $0xb8;
	[tilespmem:$0x1C200] =	vst v63  }
0x65: {  	s13 =	simm.s32 $0xCA00  }
0x66: {  	[tilespmem:s13], [sflag:$0x1] =	stream.indirect_vreg.gather [hbm4b:s5+s3], $0x80, v3, vm0, $0xb8;
	[tilespmem:$0x1C200] =	vst v63  }
0x67: {  	s15 =	simm.s32 $0xD200  }
0x68: {  	[tilespmem:s15], [sflag:$0x1] =	stream.indirect_vreg.gather [hbm4b:s6+s3], $0x80, v3, vm0, $0xb8;
	[tilespmem:$0x1C200] =	vst v63  }
0x69: {  	s17 =	simm.s32 $0xDA00  }
0x6a: {  	[tilespmem:s17], [sflag:$0x1] =	stream.indirect_vreg.gather [hbm4b:s7+s3], $0x80, v3, vm0, $0xb8;
	[tilespmem:$0x1C200] =	vst v63  }
0x6b: {  	v3 =	vld [tilespmem:$0x38];
	_ =	sdelay $0x4  }
0x6c: {  	v31 =	vshll.u32 v3, $0x3  }
0x6d: {  	v3 =	vand.u32 $0x7, v3;
	v4 =	vand.u32 $0xFFFFFFC0, v31  }
0x6e: {  	v3 =	vor.u32 v3, v4  }
0x6f: {  	v4 =	vperm.xlane v3, v0;
	_ =	sdelay $0x1  }
0x70: {  	v4 =	vadd.s32 v1, v4;
	_ =	sdelay $0x4  }
0x71: {  	[tilespmem:s9], [sflag:$0x2] =	stream.indirect_vreg.gather [hbm4b:s2+s3], $0x80, v4, vm0, $0xb8;
	[tilespmem:$0x1C200] =	vst v63  }
0x72: {  	s18 =	simm.s32 $0xEA00;
	v3 =	vperm.xlane v3, v2  }
0x73: {  	[tilespmem:s18], [sflag:$0x2] =	stream.indirect_vreg.gather [hbm4b:s5+s3], $0x80, v4, vm0, $0xb8;
	[tilespmem:$0x1C200] =	vst v63  }
0x74: {  	s21 =	simm.s32 $0xF200;
	v3 =	vadd.s32 v1, v3  }
0x75: {  	[tilespmem:s21], [sflag:$0x2] =	stream.indirect_vreg.gather [hbm4b:s6+s3], $0x80, v4, vm0, $0xb8;
	[tilespmem:$0x1C200] =	vst v63  }
0x76: {  	s22 =	simm.s32 $0xFA00  }
0x77: {  	[tilespmem:s22], [sflag:$0x2] =	stream.indirect_vreg.gather [hbm4b:s7+s3], $0x80, v4, vm0, $0xb8;
	[tilespmem:$0x1C200] =	vst v63  }
0x78: {  	s23 =	simm.s32 $0x10200  }
0x79: {  	[tilespmem:s23], [sflag:$0x2] =	stream.indirect_vreg.gather [hbm4b:s2+s3], $0x80, v3, vm0, $0xb8;
	[tilespmem:$0x1C200] =	vst v63  }
0x7a: {  	s28 =	simm.s32 $0x10A00  }
0x7b: {  	[tilespmem:s28], [sflag:$0x2] =	stream.indirect_vreg.gather [hbm4b:s5+s3], $0x80, v3, vm0, $0xb8;
	[tilespmem:$0x1C200] =	vst v63  }
0x7c: {  	s29 =	simm.s32 $0x11200  }
0x7d: {  	[tilespmem:s29], [sflag:$0x2] =	stream.indirect_vreg.gather [hbm4b:s6+s3], $0x80, v3, vm0, $0xb8;
	[tilespmem:$0x1C200] =	vst v63  }
0x7e: {  	s31 =	simm.s32 $0x11A00  }
0x7f: {  	[tilespmem:s31], [sflag:$0x2] =	stream.indirect_vreg.gather [hbm4b:s7+s3], $0x80, v3, vm0, $0xb8;
	[tilespmem:$0x1C200] =	vst v63  }
0x80: {  	v3 =	vld [tilespmem:$0x48];
	_ =	sdelay $0x4  }
0x81: {  	v32 =	vshll.u32 v3, $0x3  }
0x82: {  	v3 =	vand.u32 $0x7, v3;
	v4 =	vand.u32 $0xFFFFFFC0, v32  }
0x83: {  	v3 =	vor.u32 v3, v4  }
0x84: {  	v4 =	vperm.xlane v3, v0;
	_ =	sdelay $0x1  }
0x85: {  	v4 =	vadd.s32 v1, v4;
	_ =	sdelay $0x3  }
0x86: {  	s11 =	simm.s32 $0x12200  }
0x87: {  	[tilespmem:s11], [sflag:$0x2] =	stream.indirect_vreg.gather [hbm4b:s2+s3], $0x80, v4, vm0, $0xb8;
	[tilespmem:$0x1C200] =	vst v63  }
0x88: {  	s13 =	simm.s32 $0x12A00;
	v3 =	vperm.xlane v3, v2  }
0x89: {  	[tilespmem:s13], [sflag:$0x2] =	stream.indirect_vreg.gather [hbm4b:s5+s3], $0x80, v4, vm0, $0xb8;
	[tilespmem:$0x1C200] =	vst v63  }
0x8a: {  	s15 =	simm.s32 $0x13200;
	v3 =	vadd.s32 v1, v3  }
0x8b: {  	[tilespmem:s15], [sflag:$0x2] =	stream.indirect_vreg.gather [hbm4b:s6+s3], $0x80, v4, vm0, $0xb8;
	[tilespmem:$0x1C200] =	vst v63  }
0x8c: {  	s17 =	simm.s32 $0x13A00  }
0x8d: {  	[tilespmem:s17], [sflag:$0x2] =	stream.indirect_vreg.gather [hbm4b:s7+s3], $0x80, v4, vm0, $0xb8;
	[tilespmem:$0x1C200] =	vst v63  }
0x8e: {  	s18 =	simm.s32 $0x14200  }
0x8f: {  	[tilespmem:s18], [sflag:$0x2] =	stream.indirect_vreg.gather [hbm4b:s2+s3], $0x80, v3, vm0, $0xb8;
	[tilespmem:$0x1C200] =	vst v63  }
0x90: {  	s21 =	simm.s32 $0x14A00  }
0x91: {  	[tilespmem:s21], [sflag:$0x2] =	stream.indirect_vreg.gather [hbm4b:s5+s3], $0x80, v3, vm0, $0xb8;
	[tilespmem:$0x1C200] =	vst v63  }
0x92: {  	s22 =	simm.s32 $0x15200  }
0x93: {  	[tilespmem:s22], [sflag:$0x2] =	stream.indirect_vreg.gather [hbm4b:s6+s3], $0x80, v3, vm0, $0xb8;
	[tilespmem:$0x1C200] =	vst v63  }
0x94: {  	s23 =	simm.s32 $0x15A00  }
0x95: {  	[tilespmem:s23], [sflag:$0x2] =	stream.indirect_vreg.gather [hbm4b:s7+s3], $0x80, v3, vm0, $0xb8;
	[tilespmem:$0x1C200] =	vst v63  }
0x96: {  	v3 =	vld [tilespmem:$0x58];
	_ =	sdelay $0x4  }
0x97: {  	v33 =	vshll.u32 v3, $0x3  }
0x98: {  	v3 =	vand.u32 $0x7, v3;
	v4 =	vand.u32 $0xFFFFFFC0, v33  }
0x99: {  	v3 =	vor.u32 v3, v4  }
0x9a: {  	v4 =	vperm.xlane v3, v0;
	_ =	sdelay $0x1  }
0x9b: {  	v4 =	vadd.s32 v1, v4;
	_ =	sdelay $0x3  }
0x9c: {  	s28 =	simm.s32 $0x16200  }
0x9d: {  	[tilespmem:s28], [sflag:$0x2] =	stream.indirect_vreg.gather [hbm4b:s2+s3], $0x80, v4, vm0, $0xb8;
	[tilespmem:$0x1C200] =	vst v63  }
0x9e: {  	s29 =	simm.s32 $0x16A00;
	v3 =	vperm.xlane v3, v2  }
0x9f: {  	[tilespmem:s29], [sflag:$0x2] =	stream.indirect_vreg.gather [hbm4b:s5+s3], $0x80, v4, vm0, $0xb8;
	[tilespmem:$0x1C200] =	vst v63  }
0xa0: {  	s31 =	simm.s32 $0x17200;
	v3 =	vadd.s32 v1, v3  }
0xa1: {  	[tilespmem:s31], [sflag:$0x2] =	stream.indirect_vreg.gather [hbm4b:s6+s3], $0x80, v4, vm0, $0xb8;
	[tilespmem:$0x1C200] =	vst v63  }
0xa2: {  	s11 =	simm.s32 $0x17A00  }
0xa3: {  	[tilespmem:s11], [sflag:$0x2] =	stream.indirect_vreg.gather [hbm4b:s7+s3], $0x80, v4, vm0, $0xb8;
	[tilespmem:$0x1C200] =	vst v63  }
0xa4: {  	s13 =	simm.s32 $0x18200  }
0xa5: {  	[tilespmem:s13], [sflag:$0x2] =	stream.indirect_vreg.gather [hbm4b:s2+s3], $0x80, v3, vm0, $0xb8;
	[tilespmem:$0x1C200] =	vst v63  }
0xa6: {  	s15 =	simm.s32 $0x18A00  }
0xa7: {  	[tilespmem:s15], [sflag:$0x2] =	stream.indirect_vreg.gather [hbm4b:s5+s3], $0x80, v3, vm0, $0xb8;
	[tilespmem:$0x1C200] =	vst v63  }
0xa8: {  	s17 =	simm.s32 $0x19200  }
0xa9: {  	[tilespmem:s17], [sflag:$0x2] =	stream.indirect_vreg.gather [hbm4b:s6+s3], $0x80, v3, vm0, $0xb8;
	[tilespmem:$0x1C200] =	vst v63  }
0xaa: {  	s18 =	simm.s32 $0x19A00  }
0xab: {  	[tilespmem:s18], [sflag:$0x2] =	stream.indirect_vreg.gather [hbm4b:s7+s3], $0x80, v3, vm0, $0xb8;
	[tilespmem:$0x1C200] =	vst v63  }
0xac: {  	v3 =	vld.msk [tilespmem:$0x68], $0xff;
	_ =	sdelay $0x4  }
0xad: {  	v34 =	vshll.u32 v3, $0x3  }
0xae: {  	v3 =	vand.u32 $0x7, v3;
	v4 =	vand.u32 $0xFFFFFFC0, v34  }
0xaf: {  	v3 =	vor.u32 v3, v4  }
0xb0: {  	v3 =	vperm.xlane v3, v0;
	_ =	sdelay $0x1  }
0xb1: {  	v3 =	vadd.s32 v1, v3;
	_ =	sdelay $0x3  }
0xb2: {  	s21 =	simm.s32 $0x1A200  }
0xb3: {  	[tilespmem:s21], [sflag:$0x2] =	stream.indirect_vreg.gather [hbm4b:s2+s3], $0x80, v3, vm0, $0xb8;
	[tilespmem:$0x1C200] =	vst v63  }
0xb4: {  	s22 =	simm.s32 $0x1AA00  }
0xb5: {  	[tilespmem:s22], [sflag:$0x2] =	stream.indirect_vreg.gather [hbm4b:s5+s3], $0x80, v3, vm0, $0xb8;
	[tilespmem:$0x1C200] =	vst v63  }
0xb6: {  	s23 =	simm.s32 $0x1B200  }
0xb7: {  	[tilespmem:s23], [sflag:$0x2] =	stream.indirect_vreg.gather [hbm4b:s6+s3], $0x80, v3, vm0, $0xb8;
	[tilespmem:$0x1C200] =	vst v63  }
0xb8: {  	s28 =	simm.s32 $0x1BA00  }
0xb9: {  	[tilespmem:s28], [sflag:$0x2] =	stream.indirect_vreg.gather [hbm4b:s7+s3], $0x80, v3, vm0, $0xb8;
	[tilespmem:$0x1C200] =	vst v63  }
0xba: {  	_ =	swait.ge [sflag:s19], $0xE000  }
0xbb: {  	[sflag:s19] =	ssyncset.done $0x0  }
0xbc: {  	s31 =	simm.s32 $0x200;
	s29 =	rddreg [dreg:$0xf];
	[sflag:s19] =	ssyncadd.s32 $0xFFFF2000  }
0xbd: {  	[hbm4b:s29+s3] =	stream.linear.scatter [tilespmem:s31], [sflag:$0x3], $0xE000, $0x38;
	[tilespmem:$0x1C200] =	vst v63  }
0xbe: {  	_ =	swait.ge [sflag:s10], $0xE000  }
0xbf: {  	[sflag:s10] =	ssyncset.done $0x0  }
0xc0: {  	[sflag:s10] =	ssyncadd.s32 $0xFFFF2000  }
0xc1: {  	v3 =	vld [tilespmem:$0x70];
	_ =	sdelay $0x4  }
0xc2: {  	v35 =	vshll.u32 v3, $0x3  }
0xc3: {  	v3 =	vand.u32 $0x7, v3;
	v4 =	vand.u32 $0xFFFFFFC0, v35  }
0xc4: {  	v3 =	vor.u32 v3, v4  }
0xc5: {  	v4 =	vperm.xlane v3, v0;
	_ =	sdelay $0x1  }
0xc6: {  	v4 =	vadd.s32 v1, v4;
	_ =	sdelay $0x4  }
0xc7: {  	[tilespmem:s31], [sflag:$0x1] =	stream.indirect_vreg.gather [hbm4b:s2+s3], $0x80, v4, vm0, $0xb8;
	[tilespmem:$0x1C200] =	vst v63  }
0xc8: {  	s4 =	simm.s32 $0xA00;
	v3 =	vperm.xlane v3, v2  }
0xc9: {  	[tilespmem:s4], [sflag:$0x1] =	stream.indirect_vreg.gather [hbm4b:s5+s3], $0x80, v4, vm0, $0xb8;
	[tilespmem:$0x1C200] =	vst v63  }
0xca: {  	s1 =	simm.s32 $0x1200;
	v3 =	vadd.s32 v1, v3  }
0xcb: {  	[tilespmem:s1], [sflag:$0x1] =	stream.indirect_vreg.gather [hbm4b:s6+s3], $0x80, v4, vm0, $0xb8;
	[tilespmem:$0x1C200] =	vst v63  }
0xcc: {  	s15 =	simm.s32 $0x1A00  }
0xcd: {  	[tilespmem:s15], [sflag:$0x1] =	stream.indirect_vreg.gather [hbm4b:s7+s3], $0x80, v4, vm0, $0xb8;
	[tilespmem:$0x1C200] =	vst v63  }
0xce: {  	s1 =	simm.s32 $0x2200  }
0xcf: {  	[tilespmem:s1], [sflag:$0x1] =	stream.indirect_vreg.gather [hbm4b:s2+s3], $0x80, v3, vm0, $0xb8;
	[tilespmem:$0x1C200] =	vst v63  }
0xd0: {  	s11 =	simm.s32 $0x2A00  }
0xd1: {  	[tilespmem:s11], [sflag:$0x1] =	stream.indirect_vreg.gather [hbm4b:s5+s3], $0x80, v3, vm0, $0xb8;
	[tilespmem:$0x1C200] =	vst v63  }
0xd2: {  	s13 =	simm.s32 $0x3200  }
0xd3: {  	[tilespmem:s13], [sflag:$0x1] =	stream.indirect_vreg.gather [hbm4b:s6+s3], $0x80, v3, vm0, $0xb8;
	[tilespmem:$0x1C200] =	vst v63  }
0xd4: {  	s12 =	simm.s32 $0x3A00  }
0xd5: {  	[tilespmem:s12], [sflag:$0x1] =	stream.indirect_vreg.gather [hbm4b:s7+s3], $0x80, v3, vm0, $0xb8;
	[tilespmem:$0x1C200] =	vst v63  }
0xd6: {  	v3 =	vld [tilespmem:$0x80];
	_ =	sdelay $0x4  }
0xd7: {  	v36 =	vshll.u32 v3, $0x3  }
0xd8: {  	v3 =	vand.u32 $0x7, v3;
	v4 =	vand.u32 $0xFFFFFFC0, v36  }
0xd9: {  	v3 =	vor.u32 v3, v4  }
0xda: {  	v4 =	vperm.xlane v3, v0;
	_ =	sdelay $0x1  }
0xdb: {  	v4 =	vadd.s32 v1, v4;
	_ =	sdelay $0x3  }
0xdc: {  	s14 =	simm.s32 $0x4200  }
0xdd: {  	[tilespmem:s14], [sflag:$0x1] =	stream.indirect_vreg.gather [hbm4b:s2+s3], $0x80, v4, vm0, $0xb8;
	[tilespmem:$0x1C200] =	vst v63  }
0xde: {  	s16 =	simm.s32 $0x4A00;
	v3 =	vperm.xlane v3, v2  }
0xdf: {  	[tilespmem:s16], [sflag:$0x1] =	stream.indirect_vreg.gather [hbm4b:s5+s3], $0x80, v4, vm0, $0xb8;
	[tilespmem:$0x1C200] =	vst v63  }
0xe0: {  	v3 =	vadd.s32 v1, v3;
	s14 =	simm.s32 $0x5200  }
0xe1: {  	[tilespmem:s14], [sflag:$0x1] =	stream.indirect_vreg.gather [hbm4b:s6+s3], $0x80, v4, vm0, $0xb8;
	[tilespmem:$0x1C200] =	vst v63  }
0xe2: {  	s16 =	simm.s32 $0x5A00  }
0xe3: {  	[tilespmem:s16], [sflag:$0x1] =	stream.indirect_vreg.gather [hbm4b:s7+s3], $0x80, v4, vm0, $0xb8;
	[tilespmem:$0x1C200] =	vst v63  }
0xe4: {  	s17 =	simm.s32 $0x6200  }
0xe5: {  	[tilespmem:s17], [sflag:$0x1] =	stream.indirect_vreg.gather [hbm4b:s2+s3], $0x80, v3, vm0, $0xb8;
	[tilespmem:$0x1C200] =	vst v63  }
0xe6: {  	s18 =	simm.s32 $0x6A00  }
0xe7: {  	[tilespmem:s18], [sflag:$0x1] =	stream.indirect_vreg.gather [hbm4b:s5+s3], $0x80, v3, vm0, $0xb8;
	[tilespmem:$0x1C200] =	vst v63  }
0xe8: {  	s23 =	simm.s32 $0x7200  }
0xe9: {  	[tilespmem:s23], [sflag:$0x1] =	stream.indirect_vreg.gather [hbm4b:s6+s3], $0x80, v3, vm0, $0xb8;
	[tilespmem:$0x1C200] =	vst v63  }
0xea: {  	s24 =	simm.s32 $0x7A00  }
0xeb: {  	[tilespmem:s24], [sflag:$0x1] =	stream.indirect_vreg.gather [hbm4b:s7+s3], $0x80, v3, vm0, $0xb8;
	[tilespmem:$0x1C200] =	vst v63  }
0xec: {  	v3 =	vld [tilespmem:$0x90];
	_ =	sdelay $0x4  }
0xed: {  	v37 =	vshll.u32 v3, $0x3  }
0xee: {  	v3 =	vand.u32 $0x7, v3;
	v4 =	vand.u32 $0xFFFFFFC0, v37  }
0xef: {  	v3 =	vor.u32 v3, v4  }
0xf0: {  	v4 =	vperm.xlane v3, v0;
	_ =	sdelay $0x1  }
0xf1: {  	v4 =	vadd.s32 v1, v4;
	_ =	sdelay $0x3  }
0xf2: {  	s25 =	simm.s32 $0x8200  }
0xf3: {  	[tilespmem:s25], [sflag:$0x1] =	stream.indirect_vreg.gather [hbm4b:s2+s3], $0x80, v4, vm0, $0xb8;
	[tilespmem:$0x1C200] =	vst v63  }
0xf4: {  	s26 =	simm.s32 $0x8A00;
	v3 =	vperm.xlane v3, v2  }
0xf5: {  	[tilespmem:s26], [sflag:$0x1] =	stream.indirect_vreg.gather [hbm4b:s5+s3], $0x80, v4, vm0, $0xb8;
	[tilespmem:$0x1C200] =	vst v63  }
0xf6: {  	s24 =	simm.s32 $0x9200;
	v3 =	vadd.s32 v1, v3  }
0xf7: {  	[tilespmem:s24], [sflag:$0x1] =	stream.indirect_vreg.gather [hbm4b:s6+s3], $0x80, v4, vm0, $0xb8;
	[tilespmem:$0x1C200] =	vst v63  }
0xf8: {  	s25 =	simm.s32 $0x9A00  }
0xf9: {  	[tilespmem:s25], [sflag:$0x1] =	stream.indirect_vreg.gather [hbm4b:s7+s3], $0x80, v4, vm0, $0xb8;
	[tilespmem:$0x1C200] =	vst v63  }
0xfa: {  	s26 =	simm.s32 $0xA200  }
0xfb: {  	[tilespmem:s26], [sflag:$0x1] =	stream.indirect_vreg.gather [hbm4b:s2+s3], $0x80, v3, vm0, $0xb8;
	[tilespmem:$0x1C200] =	vst v63  }
0xfc: {  	s28 =	simm.s32 $0xAA00  }
0xfd: {  	[tilespmem:s28], [sflag:$0x1] =	stream.indirect_vreg.gather [hbm4b:s5+s3], $0x80, v3, vm0, $0xb8;
	[tilespmem:$0x1C200] =	vst v63  }
0xfe: {  	s29 =	simm.s32 $0xB200  }
0xff: {  	[tilespmem:s29], [sflag:$0x1] =	stream.indirect_vreg.gather [hbm4b:s6+s3], $0x80, v3, vm0, $0xb8;
	[tilespmem:$0x1C200] =	vst v63  }
0x100: {  	s30 =	simm.s32 $0xBA00  }
0x101: {  	[tilespmem:s30], [sflag:$0x1] =	stream.indirect_vreg.gather [hbm4b:s7+s3], $0x80, v3, vm0, $0xb8;
	[tilespmem:$0x1C200] =	vst v63  }
0x102: {  	v3 =	vld.msk [tilespmem:$0xA0], $0xff;
	_ =	sdelay $0x4  }
0x103: {  	v38 =	vshll.u32 v3, $0x3  }
0x104: {  	v3 =	vand.u32 $0x7, v3;
	v4 =	vand.u32 $0xFFFFFFC0, v38  }
0x105: {  	v3 =	vor.u32 v3, v4  }
0x106: {  	v3 =	vperm.xlane v3, v0;
	_ =	sdelay $0x1  }
0x107: {  	v3 =	vadd.s32 v1, v3;
	_ =	sdelay $0x3  }
0x108: {  	s30 =	simm.s32 $0xC200  }
0x109: {  	[tilespmem:s30], [sflag:$0x1] =	stream.indirect_vreg.gather [hbm4b:s2+s3], $0x80, v3, vm0, $0xb8;
	[tilespmem:$0x1C200] =	vst v63  }
0x10a: {  	s31 =	simm.s32 $0xCA00  }
0x10b: {  	[tilespmem:s31], [sflag:$0x1] =	stream.indirect_vreg.gather [hbm4b:s5+s3], $0x80, v3, vm0, $0xb8;
	[tilespmem:$0x1C200] =	vst v63  }
0x10c: {  	s12 =	simm.s32 $0xD200  }
0x10d: {  	[tilespmem:s12], [sflag:$0x1] =	stream.indirect_vreg.gather [hbm4b:s6+s3], $0x80, v3, vm0, $0xb8;
	[tilespmem:$0x1C200] =	vst v63  }
0x10e: {  	s22 =	simm.s32 $0xDA00  }
0x10f: {  	[tilespmem:s22], [sflag:$0x1] =	stream.indirect_vreg.gather [hbm4b:s7+s3], $0x80, v3, vm0, $0xb8;
	[tilespmem:$0x1C200] =	vst v63  }
0x110: {  	_ =	swait.ge [sflag:s20], $0xE000  }
0x111: {  	[sflag:s20] =	ssyncset.done $0x0  }
0x112: {  	s4 =	rddreg [dreg:$0x5];
	[sflag:s20] =	ssyncadd.s32 $0xFFFF2000  }
0x113: {  	[hbm4b:s4+s3] =	stream.linear.scatter [tilespmem:s9], [sflag:$0x3], $0xE000, $0x38;
	[tilespmem:$0x1C200] =	vst v63  }
0x114: {  	_ =	swait.ge [sflag:s10], $0xE000  }
0x115: {  	[sflag:s10] =	ssyncset.done $0x0  }
0x116: {  	[sflag:s10] =	ssyncadd.s32 $0xFFFF2000  }
0x117: {  	v3 =	vld [tilespmem:$0xA8];
	_ =	sdelay $0x4  }
0x118: {  	v39 =	vshll.u32 v3, $0x3  }
0x119: {  	v3 =	vand.u32 $0x7, v3;
	v4 =	vand.u32 $0xFFFFFFC0, v39  }
0x11a: {  	v3 =	vor.u32 v3, v4  }
0x11b: {  	v4 =	vperm.xlane v3, v0;
	_ =	sdelay $0x1  }
0x11c: {  	v4 =	vadd.s32 v1, v4;
	_ =	sdelay $0x4  }
0x11d: {  	[tilespmem:s9], [sflag:$0x2] =	stream.indirect_vreg.gather [hbm4b:s2+s3], $0x80, v4, vm0, $0xb8;
	[tilespmem:$0x1C200] =	vst v63  }
0x11e: {  	s21 =	simm.s32 $0xEA00;
	v3 =	vperm.xlane v3, v2  }
0x11f: {  	[tilespmem:s21], [sflag:$0x2] =	stream.indirect_vreg.gather [hbm4b:s5+s3], $0x80, v4, vm0, $0xb8;
	[tilespmem:$0x1C200] =	vst v63  }
0x120: {  	s4 =	simm.s32 $0xF200;
	v3 =	vadd.s32 v1, v3  }
0x121: {  	[tilespmem:s4], [sflag:$0x2] =	stream.indirect_vreg.gather [hbm4b:s6+s3], $0x80, v4, vm0, $0xb8;
	[tilespmem:$0x1C200] =	vst v63  }
0x122: {  	s21 =	simm.s32 $0xFA00  }
0x123: {  	[tilespmem:s21], [sflag:$0x2] =	stream.indirect_vreg.gather [hbm4b:s7+s3], $0x80, v4, vm0, $0xb8;
	[tilespmem:$0x1C200] =	vst v63  }
0x124: {  	s4 =	simm.s32 $0x10200  }
0x125: {  	[tilespmem:s4], [sflag:$0x2] =	stream.indirect_vreg.gather [hbm4b:s2+s3], $0x80, v3, vm0, $0xb8;
	[tilespmem:$0x1C200] =	vst v63  }
0x126: {  	s21 =	simm.s32 $0x10A00  }
0x127: {  	[tilespmem:s21], [sflag:$0x2] =	stream.indirect_vreg.gather [hbm4b:s5+s3], $0x80, v3, vm0, $0xb8;
	[tilespmem:$0x1C200] =	vst v63  }
0x128: {  	s4 =	simm.s32 $0x11200  }
0x129: {  	[tilespmem:s4], [sflag:$0x2] =	stream.indirect_vreg.gather [hbm4b:s6+s3], $0x80, v3, vm0, $0xb8;
	[tilespmem:$0x1C200] =	vst v63  }
0x12a: {  	s21 =	simm.s32 $0x11A00  }
0x12b: {  	[tilespmem:s21], [sflag:$0x2] =	stream.indirect_vreg.gather [hbm4b:s7+s3], $0x80, v3, vm0, $0xb8;
	[tilespmem:$0x1C200] =	vst v63  }
0x12c: {  	v3 =	vld [tilespmem:$0xB8];
	_ =	sdelay $0x4  }
0x12d: {  	v40 =	vshll.u32 v3, $0x3  }
0x12e: {  	v3 =	vand.u32 $0x7, v3;
	v4 =	vand.u32 $0xFFFFFFC0, v40  }
0x12f: {  	v3 =	vor.u32 v3, v4  }
0x130: {  	v4 =	vperm.xlane v3, v0;
	_ =	sdelay $0x1  }
0x131: {  	v4 =	vadd.s32 v1, v4;
	_ =	sdelay $0x3  }
0x132: {  	s4 =	simm.s32 $0x12200  }
0x133: {  	[tilespmem:s4], [sflag:$0x2] =	stream.indirect_vreg.gather [hbm4b:s2+s3], $0x80, v4, vm0, $0xb8;
	[tilespmem:$0x1C200] =	vst v63  }
0x134: {  	s21 =	simm.s32 $0x12A00;
	v3 =	vperm.xlane v3, v2  }
0x135: {  	[tilespmem:s21], [sflag:$0x2] =	stream.indirect_vreg.gather [hbm4b:s5+s3], $0x80, v4, vm0, $0xb8;
	[tilespmem:$0x1C200] =	vst v63  }
0x136: {  	v3 =	vadd.s32 v1, v3;
	s4 =	simm.s32 $0x13200  }
0x137: {  	[tilespmem:s4], [sflag:$0x2] =	stream.indirect_vreg.gather [hbm4b:s6+s3], $0x80, v4, vm0, $0xb8;
	[tilespmem:$0x1C200] =	vst v63  }
0x138: {  	s21 =	simm.s32 $0x13A00  }
0x139: {  	[tilespmem:s21], [sflag:$0x2] =	stream.indirect_vreg.gather [hbm4b:s7+s3], $0x80, v4, vm0, $0xb8;
	[tilespmem:$0x1C200] =	vst v63  }
0x13a: {  	s4 =	simm.s32 $0x14200  }
0x13b: {  	[tilespmem:s4], [sflag:$0x2] =	stream.indirect_vreg.gather [hbm4b:s2+s3], $0x80, v3, vm0, $0xb8;
	[tilespmem:$0x1C200] =	vst v63  }
0x13c: {  	s21 =	simm.s32 $0x14A00  }
0x13d: {  	[tilespmem:s21], [sflag:$0x2] =	stream.indirect_vreg.gather [hbm4b:s5+s3], $0x80, v3, vm0, $0xb8;
	[tilespmem:$0x1C200] =	vst v63  }
0x13e: {  	s4 =	simm.s32 $0x15200  }
0x13f: {  	[tilespmem:s4], [sflag:$0x2] =	stream.indirect_vreg.gather [hbm4b:s6+s3], $0x80, v3, vm0, $0xb8;
	[tilespmem:$0x1C200] =	vst v63  }
0x140: {  	s21 =	simm.s32 $0x15A00  }
0x141: {  	[tilespmem:s21], [sflag:$0x2] =	stream.indirect_vreg.gather [hbm4b:s7+s3], $0x80, v3, vm0, $0xb8;
	[tilespmem:$0x1C200] =	vst v63  }
0x142: {  	v3 =	vld [tilespmem:$0xC8];
	_ =	sdelay $0x4  }
0x143: {  	v41 =	vshll.u32 v3, $0x3  }
0x144: {  	v3 =	vand.u32 $0x7, v3;
	v4 =	vand.u32 $0xFFFFFFC0, v41  }
0x145: {  	v3 =	vor.u32 v3, v4  }
0x146: {  	v4 =	vperm.xlane v3, v0;
	_ =	sdelay $0x1  }
0x147: {  	v4 =	vadd.s32 v1, v4;
	_ =	sdelay $0x3  }
0x148: {  	s4 =	simm.s32 $0x16200  }
0x149: {  	[tilespmem:s4], [sflag:$0x2] =	stream.indirect_vreg.gather [hbm4b:s2+s3], $0x80, v4, vm0, $0xb8;
	[tilespmem:$0x1C200] =	vst v63  }
0x14a: {  	s21 =	simm.s32 $0x16A00;
	v3 =	vperm.xlane v3, v2  }
0x14b: {  	[tilespmem:s21], [sflag:$0x2] =	stream.indirect_vreg.gather [hbm4b:s5+s3], $0x80, v4, vm0, $0xb8;
	[tilespmem:$0x1C200] =	vst v63  }
0x14c: {  	v3 =	vadd.s32 v1, v3;
	s4 =	simm.s32 $0x17200  }
0x14d: {  	[tilespmem:s4], [sflag:$0x2] =	stream.indirect_vreg.gather [hbm4b:s6+s3], $0x80, v4, vm0, $0xb8;
	[tilespmem:$0x1C200] =	vst v63  }
0x14e: {  	s21 =	simm.s32 $0x17A00  }
0x14f: {  	[tilespmem:s21], [sflag:$0x2] =	stream.indirect_vreg.gather [hbm4b:s7+s3], $0x80, v4, vm0, $0xb8;
	[tilespmem:$0x1C200] =	vst v63  }
0x150: {  	s4 =	simm.s32 $0x18200  }
0x151: {  	[tilespmem:s4], [sflag:$0x2] =	stream.indirect_vreg.gather [hbm4b:s2+s3], $0x80, v3, vm0, $0xb8;
	[tilespmem:$0x1C200] =	vst v63  }
0x152: {  	s21 =	simm.s32 $0x18A00  }
0x153: {  	[tilespmem:s21], [sflag:$0x2] =	stream.indirect_vreg.gather [hbm4b:s5+s3], $0x80, v3, vm0, $0xb8;
	[tilespmem:$0x1C200] =	vst v63  }
0x154: {  	s4 =	simm.s32 $0x19200  }
0x155: {  	[tilespmem:s4], [sflag:$0x2] =	stream.indirect_vreg.gather [hbm4b:s6+s3], $0x80, v3, vm0, $0xb8;
	[tilespmem:$0x1C200] =	vst v63  }
0x156: {  	s21 =	simm.s32 $0x19A00  }
0x157: {  	[tilespmem:s21], [sflag:$0x2] =	stream.indirect_vreg.gather [hbm4b:s7+s3], $0x80, v3, vm0, $0xb8;
	[tilespmem:$0x1C200] =	vst v63  }
0x158: {  	v3 =	vld.msk [tilespmem:$0xD8], $0xff;
	_ =	sdelay $0x4  }
0x159: {  	v42 =	vshll.u32 v3, $0x3  }
0x15a: {  	v3 =	vand.u32 $0x7, v3;
	v4 =	vand.u32 $0xFFFFFFC0, v42  }
0x15b: {  	v3 =	vor.u32 v3, v4  }
0x15c: {  	v3 =	vperm.xlane v3, v0;
	_ =	sdelay $0x1  }
0x15d: {  	v3 =	vadd.s32 v1, v3;
	_ =	sdelay $0x3  }
0x15e: {  	s4 =	simm.s32 $0x1A200  }
0x15f: {  	[tilespmem:s4], [sflag:$0x2] =	stream.indirect_vreg.gather [hbm4b:s2+s3], $0x80, v3, vm0, $0xb8;
	[tilespmem:$0x1C200] =	vst v63  }
0x160: {  	s21 =	simm.s32 $0x1AA00  }
0x161: {  	[tilespmem:s21], [sflag:$0x2] =	stream.indirect_vreg.gather [hbm4b:s5+s3], $0x80, v3, vm0, $0xb8;
	[tilespmem:$0x1C200] =	vst v63  }
0x162: {  	s4 =	simm.s32 $0x1B200  }
0x163: {  	[tilespmem:s4], [sflag:$0x2] =	stream.indirect_vreg.gather [hbm4b:s6+s3], $0x80, v3, vm0, $0xb8;
	[tilespmem:$0x1C200] =	vst v63  }
0x164: {  	s21 =	simm.s32 $0x1BA00  }
0x165: {  	[tilespmem:s21], [sflag:$0x2] =	stream.indirect_vreg.gather [hbm4b:s7+s3], $0x80, v3, vm0, $0xb8;
	[tilespmem:$0x1C200] =	vst v63  }
0x166: {  	_ =	swait.ge [sflag:s19], $0xE000  }
0x167: {  	[sflag:s19] =	ssyncset.done $0x0  }
0x168: {  	s4 =	simm.s32 $0x200;
	s0 =	rddreg [dreg:$0x6];
	[sflag:s19] =	ssyncadd.s32 $0xFFFF2000  }
0x169: {  	[hbm4b:s0+s3] =	stream.linear.scatter [tilespmem:s4], [sflag:$0x3], $0xE000, $0x38;
	[tilespmem:$0x1C200] =	vst v63  }
0x16a: {  	_ =	swait.ge [sflag:s10], $0xE000  }
0x16b: {  	[sflag:s10] =	ssyncset.done $0x0  }
0x16c: {  	[sflag:s10] =	ssyncadd.s32 $0xFFFF2000  }
0x16d: {  	v3 =	vld [tilespmem:$0xE0];
	_ =	sdelay $0x4  }
0x16e: {  	v43 =	vshll.u32 v3, $0x3  }
0x16f: {  	v3 =	vand.u32 $0x7, v3;
	v4 =	vand.u32 $0xFFFFFFC0, v43  }
0x170: {  	v3 =	vor.u32 v3, v4  }
0x171: {  	v4 =	vperm.xlane v3, v0;
	_ =	sdelay $0x1  }
0x172: {  	v4 =	vadd.s32 v1, v4;
	_ =	sdelay $0x4  }
0x173: {  	[tilespmem:s4], [sflag:$0x1] =	stream.indirect_vreg.gather [hbm4b:s2+s3], $0x80, v4, vm0, $0xb8;
	[tilespmem:$0x1C200] =	vst v63  }
0x174: {  	s21 =	simm.s32 $0xA00;
	v3 =	vperm.xlane v3, v2  }
0x175: {  	[tilespmem:s21], [sflag:$0x1] =	stream.indirect_vreg.gather [hbm4b:s5+s3], $0x80, v4, vm0, $0xb8;
	[tilespmem:$0x1C200] =	vst v63  }
0x176: {  	v3 =	vadd.s32 v1, v3;
	s21 =	simm.s32 $0x1200  }
0x177: {  	[tilespmem:s21], [sflag:$0x1] =	stream.indirect_vreg.gather [hbm4b:s6+s3], $0x80, v4, vm0, $0xb8;
	[tilespmem:$0x1C200] =	vst v63  }
0x178: {  	_ = 	snop  }
0x179: {  	[tilespmem:s15], [sflag:$0x1] =	stream.indirect_vreg.gather [hbm4b:s7+s3], $0x80, v4, vm0, $0xb8;
	[tilespmem:$0x1C200] =	vst v63  }
0x17a: {  	_ = 	snop  }
0x17b: {  	[tilespmem:s1], [sflag:$0x1] =	stream.indirect_vreg.gather [hbm4b:s2+s3], $0x80, v3, vm0, $0xb8;
	[tilespmem:$0x1C200] =	vst v63  }
0x17c: {  	_ = 	snop  }
0x17d: {  	[tilespmem:s11], [sflag:$0x1] =	stream.indirect_vreg.gather [hbm4b:s5+s3], $0x80, v3, vm0, $0xb8;
	[tilespmem:$0x1C200] =	vst v63  }
0x17e: {  	_ = 	snop  }
0x17f: {  	[tilespmem:s13], [sflag:$0x1] =	stream.indirect_vreg.gather [hbm4b:s6+s3], $0x80, v3, vm0, $0xb8;
	[tilespmem:$0x1C200] =	vst v63  }
0x180: {  	s0 =	simm.s32 $0x3A00  }
0x181: {  	[tilespmem:s0], [sflag:$0x1] =	stream.indirect_vreg.gather [hbm4b:s7+s3], $0x80, v3, vm0, $0xb8;
	[tilespmem:$0x1C200] =	vst v63  }
0x182: {  	v3 =	vld [tilespmem:$0xF0];
	_ =	sdelay $0x4  }
0x183: {  	v44 =	vshll.u32 v3, $0x3  }
0x184: {  	v3 =	vand.u32 $0x7, v3;
	v4 =	vand.u32 $0xFFFFFFC0, v44  }
0x185: {  	v3 =	vor.u32 v3, v4  }
0x186: {  	v4 =	vperm.xlane v3, v0;
	_ =	sdelay $0x1  }
0x187: {  	v4 =	vadd.s32 v1, v4;
	_ =	sdelay $0x3  }
0x188: {  	s15 =	simm.s32 $0x4200  }
0x189: {  	[tilespmem:s15], [sflag:$0x1] =	stream.indirect_vreg.gather [hbm4b:s2+s3], $0x80, v4, vm0, $0xb8;
	[tilespmem:$0x1C200] =	vst v63  }
0x18a: {  	s21 =	simm.s32 $0x4A00;
	v3 =	vperm.xlane v3, v2  }
0x18b: {  	[tilespmem:s21], [sflag:$0x1] =	stream.indirect_vreg.gather [hbm4b:s5+s3], $0x80, v4, vm0, $0xb8;
	[tilespmem:$0x1C200] =	vst v63  }
0x18c: {  	v3 =	vadd.s32 v1, v3  }
0x18d: {  	[tilespmem:s14], [sflag:$0x1] =	stream.indirect_vreg.gather [hbm4b:s6+s3], $0x80, v4, vm0, $0xb8;
	[tilespmem:$0x1C200] =	vst v63  }
0x18e: {  	_ = 	snop  }
0x18f: {  	[tilespmem:s16], [sflag:$0x1] =	stream.indirect_vreg.gather [hbm4b:s7+s3], $0x80, v4, vm0, $0xb8;
	[tilespmem:$0x1C200] =	vst v63  }
0x190: {  	_ = 	snop  }
0x191: {  	[tilespmem:s17], [sflag:$0x1] =	stream.indirect_vreg.gather [hbm4b:s2+s3], $0x80, v3, vm0, $0xb8;
	[tilespmem:$0x1C200] =	vst v63  }
0x192: {  	_ = 	snop  }
0x193: {  	[tilespmem:s18], [sflag:$0x1] =	stream.indirect_vreg.gather [hbm4b:s5+s3], $0x80, v3, vm0, $0xb8;
	[tilespmem:$0x1C200] =	vst v63  }
0x194: {  	_ = 	snop  }
0x195: {  	[tilespmem:s23], [sflag:$0x1] =	stream.indirect_vreg.gather [hbm4b:s6+s3], $0x80, v3, vm0, $0xb8;
	[tilespmem:$0x1C200] =	vst v63  }
0x196: {  	s1 =	simm.s32 $0x7A00  }
0x197: {  	[tilespmem:s1], [sflag:$0x1] =	stream.indirect_vreg.gather [hbm4b:s7+s3], $0x80, v3, vm0, $0xb8;
	[tilespmem:$0x1C200] =	vst v63  }
0x198: {  	v3 =	vld [tilespmem:$0x100];
	_ =	sdelay $0x4  }
0x199: {  	v45 =	vshll.u32 v3, $0x3  }
0x19a: {  	v3 =	vand.u32 $0x7, v3;
	v4 =	vand.u32 $0xFFFFFFC0, v45  }
0x19b: {  	v3 =	vor.u32 v3, v4  }
0x19c: {  	v4 =	vperm.xlane v3, v0;
	_ =	sdelay $0x1  }
0x19d: {  	v4 =	vadd.s32 v1, v4;
	_ =	sdelay $0x3  }
0x19e: {  	s16 =	simm.s32 $0x8200  }
0x19f: {  	[tilespmem:s16], [sflag:$0x1] =	stream.indirect_vreg.gather [hbm4b:s2+s3], $0x80, v4, vm0, $0xb8;
	[tilespmem:$0x1C200] =	vst v63  }
0x1a0: {  	s14 =	simm.s32 $0x8A00;
	v3 =	vperm.xlane v3, v2  }
0x1a1: {  	[tilespmem:s14], [sflag:$0x1] =	stream.indirect_vreg.gather [hbm4b:s5+s3], $0x80, v4, vm0, $0xb8;
	[tilespmem:$0x1C200] =	vst v63  }
0x1a2: {  	v3 =	vadd.s32 v1, v3  }
0x1a3: {  	[tilespmem:s24], [sflag:$0x1] =	stream.indirect_vreg.gather [hbm4b:s6+s3], $0x80, v4, vm0, $0xb8;
	[tilespmem:$0x1C200] =	vst v63  }
0x1a4: {  	_ = 	snop  }
0x1a5: {  	[tilespmem:s25], [sflag:$0x1] =	stream.indirect_vreg.gather [hbm4b:s7+s3], $0x80, v4, vm0, $0xb8;
	[tilespmem:$0x1C200] =	vst v63  }
0x1a6: {  	_ = 	snop  }
0x1a7: {  	[tilespmem:s26], [sflag:$0x1] =	stream.indirect_vreg.gather [hbm4b:s2+s3], $0x80, v3, vm0, $0xb8;
	[tilespmem:$0x1C200] =	vst v63  }
0x1a8: {  	_ = 	snop  }
0x1a9: {  	[tilespmem:s28], [sflag:$0x1] =	stream.indirect_vreg.gather [hbm4b:s5+s3], $0x80, v3, vm0, $0xb8;
	[tilespmem:$0x1C200] =	vst v63  }
0x1aa: {  	_ = 	snop  }
0x1ab: {  	[tilespmem:s29], [sflag:$0x1] =	stream.indirect_vreg.gather [hbm4b:s6+s3], $0x80, v3, vm0, $0xb8;
	[tilespmem:$0x1C200] =	vst v63  }
0x1ac: {  	s13 =	simm.s32 $0xBA00  }
0x1ad: {  	[tilespmem:s13], [sflag:$0x1] =	stream.indirect_vreg.gather [hbm4b:s7+s3], $0x80, v3, vm0, $0xb8;
	[tilespmem:$0x1C200] =	vst v63  }
0x1ae: {  	v3 =	vld.msk [tilespmem:$0x110], $0xff;
	_ =	sdelay $0x4  }
0x1af: {  	v46 =	vshll.u32 v3, $0x3  }
0x1b0: {  	v3 =	vand.u32 $0x7, v3;
	v4 =	vand.u32 $0xFFFFFFC0, v46  }
0x1b1: {  	v3 =	vor.u32 v3, v4  }
0x1b2: {  	v3 =	vperm.xlane v3, v0;
	_ =	sdelay $0x1  }
0x1b3: {  	v3 =	vadd.s32 v1, v3;
	_ =	sdelay $0x4  }
0x1b4: {  	[tilespmem:s30], [sflag:$0x1] =	stream.indirect_vreg.gather [hbm4b:s2+s3], $0x80, v3, vm0, $0xb8;
	[tilespmem:$0x1C200] =	vst v63  }
0x1b5: {  	_ = 	snop  }
0x1b6: {  	[tilespmem:s31], [sflag:$0x1] =	stream.indirect_vreg.gather [hbm4b:s5+s3], $0x80, v3, vm0, $0xb8;
	[tilespmem:$0x1C200] =	vst v63  }
0x1b7: {  	_ = 	snop  }
0x1b8: {  	[tilespmem:s12], [sflag:$0x1] =	stream.indirect_vreg.gather [hbm4b:s6+s3], $0x80, v3, vm0, $0xb8;
	[tilespmem:$0x1C200] =	vst v63  }
0x1b9: {  	_ = 	snop  }
0x1ba: {  	[tilespmem:s22], [sflag:$0x1] =	stream.indirect_vreg.gather [hbm4b:s7+s3], $0x80, v3, vm0, $0xb8;
	[tilespmem:$0x1C200] =	vst v63  }
0x1bb: {  	_ =	swait.ge [sflag:s20], $0xE000  }
0x1bc: {  	[sflag:s20] =	ssyncset.done $0x0  }
0x1bd: {  	s30 =	rddreg [dreg:$0x7];
	[sflag:s20] =	ssyncadd.s32 $0xFFFF2000  }
0x1be: {  	[hbm4b:s30+s3] =	stream.linear.scatter [tilespmem:s9], [sflag:$0x3], $0xE000, $0x38;
	[tilespmem:$0x1C200] =	vst v63  }
0x1bf: {  	_ =	swait.ge [sflag:s10], $0xE000  }
0x1c0: {  	[sflag:s10] =	ssyncset.done $0x0  }
0x1c1: {  	[sflag:s10] =	ssyncadd.s32 $0xFFFF2000  }
0x1c2: {  	v3 =	vld [tilespmem:$0x118];
	_ =	sdelay $0x4  }
0x1c3: {  	v47 =	vshll.u32 v3, $0x3  }
0x1c4: {  	v3 =	vand.u32 $0x7, v3;
	v4 =	vand.u32 $0xFFFFFFC0, v47  }
0x1c5: {  	v3 =	vor.u32 v3, v4  }
0x1c6: {  	v4 =	vperm.xlane v3, v0;
	_ =	sdelay $0x1  }
0x1c7: {  	v4 =	vadd.s32 v1, v4;
	_ =	sdelay $0x4  }
0x1c8: {  	[tilespmem:s9], [sflag:$0x2] =	stream.indirect_vreg.gather [hbm4b:s2+s3], $0x80, v4, vm0, $0xb8;
	[tilespmem:$0x1C200] =	vst v63  }
0x1c9: {  	s31 =	simm.s32 $0xEA00;
	v3 =	vperm.xlane v3, v2  }
0x1ca: {  	[tilespmem:s31], [sflag:$0x2] =	stream.indirect_vreg.gather [hbm4b:s5+s3], $0x80, v4, vm0, $0xb8;
	[tilespmem:$0x1C200] =	vst v63  }
0x1cb: {  	s12 =	simm.s32 $0xF200;
	v3 =	vadd.s32 v1, v3  }
0x1cc: {  	[tilespmem:s12], [sflag:$0x2] =	stream.indirect_vreg.gather [hbm4b:s6+s3], $0x80, v4, vm0, $0xb8;
	[tilespmem:$0x1C200] =	vst v63  }
0x1cd: {  	s11 =	simm.s32 $0xFA00  }
0x1ce: {  	[tilespmem:s11], [sflag:$0x2] =	stream.indirect_vreg.gather [hbm4b:s7+s3], $0x80, v4, vm0, $0xb8;
	[tilespmem:$0x1C200] =	vst v63  }
0x1cf: {  	s17 =	simm.s32 $0x10200  }
0x1d0: {  	[tilespmem:s17], [sflag:$0x2] =	stream.indirect_vreg.gather [hbm4b:s2+s3], $0x80, v3, vm0, $0xb8;
	[tilespmem:$0x1C200] =	vst v63  }
0x1d1: {  	s18 =	simm.s32 $0x10A00  }
0x1d2: {  	[tilespmem:s18], [sflag:$0x2] =	stream.indirect_vreg.gather [hbm4b:s5+s3], $0x80, v3, vm0, $0xb8;
	[tilespmem:$0x1C200] =	vst v63  }
0x1d3: {  	s21 =	simm.s32 $0x11200  }
0x1d4: {  	[tilespmem:s21], [sflag:$0x2] =	stream.indirect_vreg.gather [hbm4b:s6+s3], $0x80, v3, vm0, $0xb8;
	[tilespmem:$0x1C200] =	vst v63  }
0x1d5: {  	s22 =	simm.s32 $0x11A00  }
0x1d6: {  	[tilespmem:s22], [sflag:$0x2] =	stream.indirect_vreg.gather [hbm4b:s7+s3], $0x80, v3, vm0, $0xb8;
	[tilespmem:$0x1C200] =	vst v63  }
0x1d7: {  	v3 =	vld [tilespmem:$0x128];
	_ =	sdelay $0x4  }
0x1d8: {  	v48 =	vshll.u32 v3, $0x3  }
0x1d9: {  	v3 =	vand.u32 $0x7, v3;
	v4 =	vand.u32 $0xFFFFFFC0, v48  }
0x1da: {  	v3 =	vor.u32 v3, v4  }
0x1db: {  	v4 =	vperm.xlane v3, v0;
	_ =	sdelay $0x1  }
0x1dc: {  	v4 =	vadd.s32 v1, v4;
	_ =	sdelay $0x3  }
0x1dd: {  	s23 =	simm.s32 $0x12200  }
0x1de: {  	[tilespmem:s23], [sflag:$0x2] =	stream.indirect_vreg.gather [hbm4b:s2+s3], $0x80, v4, vm0, $0xb8;
	[tilespmem:$0x1C200] =	vst v63  }
0x1df: {  	s24 =	simm.s32 $0x12A00;
	v3 =	vperm.xlane v3, v2  }
0x1e0: {  	[tilespmem:s24], [sflag:$0x2] =	stream.indirect_vreg.gather [hbm4b:s5+s3], $0x80, v4, vm0, $0xb8;
	[tilespmem:$0x1C200] =	vst v63  }
0x1e1: {  	s25 =	simm.s32 $0x13200;
	v3 =	vadd.s32 v1, v3  }
0x1e2: {  	[tilespmem:s25], [sflag:$0x2] =	stream.indirect_vreg.gather [hbm4b:s6+s3], $0x80, v4, vm0, $0xb8;
	[tilespmem:$0x1C200] =	vst v63  }
0x1e3: {  	s26 =	simm.s32 $0x13A00  }
0x1e4: {  	[tilespmem:s26], [sflag:$0x2] =	stream.indirect_vreg.gather [hbm4b:s7+s3], $0x80, v4, vm0, $0xb8;
	[tilespmem:$0x1C200] =	vst v63  }
0x1e5: {  	s28 =	simm.s32 $0x14200  }
0x1e6: {  	[tilespmem:s28], [sflag:$0x2] =	stream.indirect_vreg.gather [hbm4b:s2+s3], $0x80, v3, vm0, $0xb8;
	[tilespmem:$0x1C200] =	vst v63  }
0x1e7: {  	s29 =	simm.s32 $0x14A00  }
0x1e8: {  	[tilespmem:s29], [sflag:$0x2] =	stream.indirect_vreg.gather [hbm4b:s5+s3], $0x80, v3, vm0, $0xb8;
	[tilespmem:$0x1C200] =	vst v63  }
0x1e9: {  	s30 =	simm.s32 $0x15200  }
0x1ea: {  	[tilespmem:s30], [sflag:$0x2] =	stream.indirect_vreg.gather [hbm4b:s6+s3], $0x80, v3, vm0, $0xb8;
	[tilespmem:$0x1C200] =	vst v63  }
0x1eb: {  	s31 =	simm.s32 $0x15A00  }
0x1ec: {  	[tilespmem:s31], [sflag:$0x2] =	stream.indirect_vreg.gather [hbm4b:s7+s3], $0x80, v3, vm0, $0xb8;
	[tilespmem:$0x1C200] =	vst v63  }
0x1ed: {  	v3 =	vld [tilespmem:$0x138];
	_ =	sdelay $0x4  }
0x1ee: {  	v49 =	vshll.u32 v3, $0x3  }
0x1ef: {  	v3 =	vand.u32 $0x7, v3;
	v4 =	vand.u32 $0xFFFFFFC0, v49  }
0x1f0: {  	v3 =	vor.u32 v3, v4  }
0x1f1: {  	v4 =	vperm.xlane v3, v0;
	_ =	sdelay $0x1  }
0x1f2: {  	v4 =	vadd.s32 v1, v4;
	_ =	sdelay $0x3  }
0x1f3: {  	s17 =	simm.s32 $0x16200  }
0x1f4: {  	[tilespmem:s17], [sflag:$0x2] =	stream.indirect_vreg.gather [hbm4b:s2+s3], $0x80, v4, vm0, $0xb8;
	[tilespmem:$0x1C200] =	vst v63  }
0x1f5: {  	s18 =	simm.s32 $0x16A00;
	v3 =	vperm.xlane v3, v2  }
0x1f6: {  	[tilespmem:s18], [sflag:$0x2] =	stream.indirect_vreg.gather [hbm4b:s5+s3], $0x80, v4, vm0, $0xb8;
	[tilespmem:$0x1C200] =	vst v63  }
0x1f7: {  	s21 =	simm.s32 $0x17200;
	v3 =	vadd.s32 v1, v3  }
0x1f8: {  	[tilespmem:s21], [sflag:$0x2] =	stream.indirect_vreg.gather [hbm4b:s6+s3], $0x80, v4, vm0, $0xb8;
	[tilespmem:$0x1C200] =	vst v63  }
0x1f9: {  	s22 =	simm.s32 $0x17A00  }
0x1fa: {  	[tilespmem:s22], [sflag:$0x2] =	stream.indirect_vreg.gather [hbm4b:s7+s3], $0x80, v4, vm0, $0xb8;
	[tilespmem:$0x1C200] =	vst v63  }
0x1fb: {  	s23 =	simm.s32 $0x18200  }
0x1fc: {  	[tilespmem:s23], [sflag:$0x2] =	stream.indirect_vreg.gather [hbm4b:s2+s3], $0x80, v3, vm0, $0xb8;
	[tilespmem:$0x1C200] =	vst v63  }
0x1fd: {  	s24 =	simm.s32 $0x18A00  }
0x1fe: {  	[tilespmem:s24], [sflag:$0x2] =	stream.indirect_vreg.gather [hbm4b:s5+s3], $0x80, v3, vm0, $0xb8;
	[tilespmem:$0x1C200] =	vst v63  }
0x1ff: {  	s25 =	simm.s32 $0x19200  }
0x200: {  	[tilespmem:s25], [sflag:$0x2] =	stream.indirect_vreg.gather [hbm4b:s6+s3], $0x80, v3, vm0, $0xb8;
	[tilespmem:$0x1C200] =	vst v63  }
0x201: {  	s26 =	simm.s32 $0x19A00  }
0x202: {  	[tilespmem:s26], [sflag:$0x2] =	stream.indirect_vreg.gather [hbm4b:s7+s3], $0x80, v3, vm0, $0xb8;
	[tilespmem:$0x1C200] =	vst v63  }
0x203: {  	v3 =	vld.msk [tilespmem:$0x148], $0xff;
	_ =	sdelay $0x4  }
0x204: {  	v50 =	vshll.u32 v3, $0x3  }
0x205: {  	v3 =	vand.u32 $0x7, v3;
	v4 =	vand.u32 $0xFFFFFFC0, v50  }
0x206: {  	v3 =	vor.u32 v3, v4  }
0x207: {  	v3 =	vperm.xlane v3, v0;
	_ =	sdelay $0x1  }
0x208: {  	v3 =	vadd.s32 v1, v3;
	_ =	sdelay $0x3  }
0x209: {  	s28 =	simm.s32 $0x1A200  }
0x20a: {  	[tilespmem:s28], [sflag:$0x2] =	stream.indirect_vreg.gather [hbm4b:s2+s3], $0x80, v3, vm0, $0xb8;
	[tilespmem:$0x1C200] =	vst v63  }
0x20b: {  	s29 =	simm.s32 $0x1AA00  }
0x20c: {  	[tilespmem:s29], [sflag:$0x2] =	stream.indirect_vreg.gather [hbm4b:s5+s3], $0x80, v3, vm0, $0xb8;
	[tilespmem:$0x1C200] =	vst v63  }
0x20d: {  	s30 =	simm.s32 $0x1B200  }
0x20e: {  	[tilespmem:s30], [sflag:$0x2] =	stream.indirect_vreg.gather [hbm4b:s6+s3], $0x80, v3, vm0, $0xb8;
	[tilespmem:$0x1C200] =	vst v63  }
0x20f: {  	s31 =	simm.s32 $0x1BA00  }
0x210: {  	[tilespmem:s31], [sflag:$0x2] =	stream.indirect_vreg.gather [hbm4b:s7+s3], $0x80, v3, vm0, $0xb8;
	[tilespmem:$0x1C200] =	vst v63  }
0x211: {  	_ =	swait.ge [sflag:s19], $0xE000  }
0x212: {  	[sflag:s19] =	ssyncset.done $0x0  }
0x213: {  	s4 =	simm.s32 $0x200;
	s12 =	rddreg [dreg:$0x8];
	[sflag:s19] =	ssyncadd.s32 $0xFFFF2000  }
0x214: {  	[hbm4b:s12+s3] =	stream.linear.scatter [tilespmem:s4], [sflag:$0x3], $0xE000, $0x38;
	[tilespmem:$0x1C200] =	vst v63  }
0x215: {  	_ =	swait.ge [sflag:s10], $0xE000  }
0x216: {  	[sflag:s10] =	ssyncset.done $0x0  }
0x217: {  	[sflag:s10] =	ssyncadd.s32 $0xFFFF2000  }
0x218: {  	v3 =	vld [tilespmem:$0x150];
	_ =	sdelay $0x4  }
0x219: {  	v51 =	vshll.u32 v3, $0x3  }
0x21a: {  	v3 =	vand.u32 $0x7, v3;
	v4 =	vand.u32 $0xFFFFFFC0, v51  }
0x21b: {  	v3 =	vor.u32 v3, v4  }
0x21c: {  	v4 =	vperm.xlane v3, v0;
	_ =	sdelay $0x1  }
0x21d: {  	v4 =	vadd.s32 v1, v4;
	_ =	sdelay $0x4  }
0x21e: {  	[tilespmem:s4], [sflag:$0x1] =	stream.indirect_vreg.gather [hbm4b:s2+s3], $0x80, v4, vm0, $0xb8;
	[tilespmem:$0x1C200] =	vst v63  }
0x21f: {  	s17 =	simm.s32 $0xA00;
	v3 =	vperm.xlane v3, v2  }
0x220: {  	[tilespmem:s17], [sflag:$0x1] =	stream.indirect_vreg.gather [hbm4b:s5+s3], $0x80, v4, vm0, $0xb8;
	[tilespmem:$0x1C200] =	vst v63  }
0x221: {  	s18 =	simm.s32 $0x1200;
	v3 =	vadd.s32 v1, v3  }
0x222: {  	[tilespmem:s18], [sflag:$0x1] =	stream.indirect_vreg.gather [hbm4b:s6+s3], $0x80, v4, vm0, $0xb8;
	[tilespmem:$0x1C200] =	vst v63  }
0x223: {  	s23 =	simm.s32 $0x1A00  }
0x224: {  	[tilespmem:s23], [sflag:$0x1] =	stream.indirect_vreg.gather [hbm4b:s7+s3], $0x80, v4, vm0, $0xb8;
	[tilespmem:$0x1C200] =	vst v63  }
0x225: {  	s4 =	simm.s32 $0x2200  }
0x226: {  	[tilespmem:s4], [sflag:$0x1] =	stream.indirect_vreg.gather [hbm4b:s2+s3], $0x80, v3, vm0, $0xb8;
	[tilespmem:$0x1C200] =	vst v63  }
0x227: {  	s24 =	simm.s32 $0x2A00  }
0x228: {  	[tilespmem:s24], [sflag:$0x1] =	stream.indirect_vreg.gather [hbm4b:s5+s3], $0x80, v3, vm0, $0xb8;
	[tilespmem:$0x1C200] =	vst v63  }
0x229: {  	s25 =	simm.s32 $0x3200  }
0x22a: {  	[tilespmem:s25], [sflag:$0x1] =	stream.indirect_vreg.gather [hbm4b:s6+s3], $0x80, v3, vm0, $0xb8;
	[tilespmem:$0x1C200] =	vst v63  }
0x22b: {  	_ = 	snop  }
0x22c: {  	[tilespmem:s0], [sflag:$0x1] =	stream.indirect_vreg.gather [hbm4b:s7+s3], $0x80, v3, vm0, $0xb8;
	[tilespmem:$0x1C200] =	vst v63  }
0x22d: {  	v3 =	vld [tilespmem:$0x160];
	_ =	sdelay $0x4  }
0x22e: {  	v52 =	vshll.u32 v3, $0x3  }
0x22f: {  	v3 =	vand.u32 $0x7, v3;
	v4 =	vand.u32 $0xFFFFFFC0, v52  }
0x230: {  	v3 =	vor.u32 v3, v4  }
0x231: {  	v4 =	vperm.xlane v3, v0;
	_ =	sdelay $0x1  }
0x232: {  	v4 =	vadd.s32 v1, v4;
	_ =	sdelay $0x4  }
0x233: {  	[tilespmem:s15], [sflag:$0x1] =	stream.indirect_vreg.gather [hbm4b:s2+s3], $0x80, v4, vm0, $0xb8;
	[tilespmem:$0x1C200] =	vst v63  }
0x234: {  	s26 =	simm.s32 $0x4A00;
	v3 =	vperm.xlane v3, v2  }
0x235: {  	[tilespmem:s26], [sflag:$0x1] =	stream.indirect_vreg.gather [hbm4b:s5+s3], $0x80, v4, vm0, $0xb8;
	[tilespmem:$0x1C200] =	vst v63  }
0x236: {  	v3 =	vadd.s32 v1, v3;
	s15 =	simm.s32 $0x5200  }
0x237: {  	[tilespmem:s15], [sflag:$0x1] =	stream.indirect_vreg.gather [hbm4b:s6+s3], $0x80, v4, vm0, $0xb8;
	[tilespmem:$0x1C200] =	vst v63  }
0x238: {  	s12 =	simm.s32 $0x5A00  }
0x239: {  	[tilespmem:s12], [sflag:$0x1] =	stream.indirect_vreg.gather [hbm4b:s7+s3], $0x80, v4, vm0, $0xb8;
	[tilespmem:$0x1C200] =	vst v63  }
0x23a: {  	s28 =	simm.s32 $0x6200  }
0x23b: {  	[tilespmem:s28], [sflag:$0x1] =	stream.indirect_vreg.gather [hbm4b:s2+s3], $0x80, v3, vm0, $0xb8;
	[tilespmem:$0x1C200] =	vst v63  }
0x23c: {  	s0 =	simm.s32 $0x6A00  }
0x23d: {  	[tilespmem:s0], [sflag:$0x1] =	stream.indirect_vreg.gather [hbm4b:s5+s3], $0x80, v3, vm0, $0xb8;
	[tilespmem:$0x1C200] =	vst v63  }
0x23e: {  	s30 =	simm.s32 $0x7200  }
0x23f: {  	[tilespmem:s30], [sflag:$0x1] =	stream.indirect_vreg.gather [hbm4b:s6+s3], $0x80, v3, vm0, $0xb8;
	[tilespmem:$0x1C200] =	vst v63  }
0x240: {  	_ = 	snop  }
0x241: {  	[tilespmem:s1], [sflag:$0x1] =	stream.indirect_vreg.gather [hbm4b:s7+s3], $0x80, v3, vm0, $0xb8;
	[tilespmem:$0x1C200] =	vst v63  }
0x242: {  	v3 =	vld [tilespmem:$0x170];
	_ =	sdelay $0x4  }
0x243: {  	v53 =	vshll.u32 v3, $0x3  }
0x244: {  	v3 =	vand.u32 $0x7, v3;
	v4 =	vand.u32 $0xFFFFFFC0, v53  }
0x245: {  	v3 =	vor.u32 v3, v4  }
0x246: {  	v4 =	vperm.xlane v3, v0;
	_ =	sdelay $0x1  }
0x247: {  	v4 =	vadd.s32 v1, v4;
	_ =	sdelay $0x4  }
0x248: {  	[tilespmem:s16], [sflag:$0x1] =	stream.indirect_vreg.gather [hbm4b:s2+s3], $0x80, v4, vm0, $0xb8;
	[tilespmem:$0x1C200] =	vst v63  }
0x249: {  	v3 =	vperm.xlane v3, v2  }
0x24a: {  	[tilespmem:s14], [sflag:$0x1] =	stream.indirect_vreg.gather [hbm4b:s5+s3], $0x80, v4, vm0, $0xb8;
	[tilespmem:$0x1C200] =	vst v63  }
0x24b: {  	v3 =	vadd.s32 v1, v3;
	s14 =	simm.s32 $0x9200  }
0x24c: {  	[tilespmem:s14], [sflag:$0x1] =	stream.indirect_vreg.gather [hbm4b:s6+s3], $0x80, v4, vm0, $0xb8;
	[tilespmem:$0x1C200] =	vst v63  }
0x24d: {  	s21 =	simm.s32 $0x9A00  }
0x24e: {  	[tilespmem:s21], [sflag:$0x1] =	stream.indirect_vreg.gather [hbm4b:s7+s3], $0x80, v4, vm0, $0xb8;
	[tilespmem:$0x1C200] =	vst v63  }
0x24f: {  	s1 =	simm.s32 $0xA200  }
0x250: {  	[tilespmem:s1], [sflag:$0x1] =	stream.indirect_vreg.gather [hbm4b:s2+s3], $0x80, v3, vm0, $0xb8;
	[tilespmem:$0x1C200] =	vst v63  }
0x251: {  	s14 =	simm.s32 $0xAA00  }
0x252: {  	[tilespmem:s14], [sflag:$0x1] =	stream.indirect_vreg.gather [hbm4b:s5+s3], $0x80, v3, vm0, $0xb8;
	[tilespmem:$0x1C200] =	vst v63  }
0x253: {  	s21 =	simm.s32 $0xB200  }
0x254: {  	[tilespmem:s21], [sflag:$0x1] =	stream.indirect_vreg.gather [hbm4b:s6+s3], $0x80, v3, vm0, $0xb8;
	[tilespmem:$0x1C200] =	vst v63  }
0x255: {  	_ = 	snop  }
0x256: {  	[tilespmem:s13], [sflag:$0x1] =	stream.indirect_vreg.gather [hbm4b:s7+s3], $0x80, v3, vm0, $0xb8;
	[tilespmem:$0x1C200] =	vst v63  }
0x257: {  	v3 =	vld.msk [tilespmem:$0x180], $0xff;
	_ =	sdelay $0x4  }
0x258: {  	v54 =	vshll.u32 v3, $0x3  }
0x259: {  	v3 =	vand.u32 $0x7, v3;
	v4 =	vand.u32 $0xFFFFFFC0, v54  }
0x25a: {  	v3 =	vor.u32 v3, v4  }
0x25b: {  	v3 =	vperm.xlane v3, v0;
	_ =	sdelay $0x1  }
0x25c: {  	v3 =	vadd.s32 v1, v3;
	_ =	sdelay $0x3  }
0x25d: {  	s1 =	simm.s32 $0xC200  }
0x25e: {  	[tilespmem:s1], [sflag:$0x1] =	stream.indirect_vreg.gather [hbm4b:s2+s3], $0x80, v3, vm0, $0xb8;
	[tilespmem:$0x1C200] =	vst v63  }
0x25f: {  	s14 =	simm.s32 $0xCA00  }
0x260: {  	[tilespmem:s14], [sflag:$0x1] =	stream.indirect_vreg.gather [hbm4b:s5+s3], $0x80, v3, vm0, $0xb8;
	[tilespmem:$0x1C200] =	vst v63  }
0x261: {  	s21 =	simm.s32 $0xD200  }
0x262: {  	[tilespmem:s21], [sflag:$0x1] =	stream.indirect_vreg.gather [hbm4b:s6+s3], $0x80, v3, vm0, $0xb8;
	[tilespmem:$0x1C200] =	vst v63  }
0x263: {  	s1 =	simm.s32 $0xDA00  }
0x264: {  	[tilespmem:s1], [sflag:$0x1] =	stream.indirect_vreg.gather [hbm4b:s7+s3], $0x80, v3, vm0, $0xb8;
	[tilespmem:$0x1C200] =	vst v63  }
0x265: {  	_ =	swait.ge [sflag:s20], $0xE000  }
0x266: {  	[sflag:s20] =	ssyncset.done $0x0  }
0x267: {  	s14 =	rddreg [dreg:$0x9];
	[sflag:s20] =	ssyncadd.s32 $0xFFFF2000  }
0x268: {  	[hbm4b:s14+s3] =	stream.linear.scatter [tilespmem:s9], [sflag:$0x3], $0xE000, $0x38;
	[tilespmem:$0x1C200] =	vst v63  }
0x269: {  	_ =	swait.ge [sflag:s10], $0xE000  }
0x26a: {  	[sflag:s10] =	ssyncset.done $0x0  }
0x26b: {  	[sflag:s10] =	ssyncadd.s32 $0xFFFF2000  }
0x26c: {  	v3 =	vld [tilespmem:$0x188];
	_ =	sdelay $0x4  }
0x26d: {  	v55 =	vshll.u32 v3, $0x3  }
0x26e: {  	v3 =	vand.u32 $0x7, v3;
	v4 =	vand.u32 $0xFFFFFFC0, v55  }
0x26f: {  	v3 =	vor.u32 v3, v4  }
0x270: {  	v4 =	vperm.xlane v3, v0;
	_ =	sdelay $0x1  }
0x271: {  	v4 =	vadd.s32 v1, v4;
	_ =	sdelay $0x4  }
0x272: {  	[tilespmem:s9], [sflag:$0x2] =	stream.indirect_vreg.gather [hbm4b:s2+s3], $0x80, v4, vm0, $0xb8;
	[tilespmem:$0x1C200] =	vst v63  }
0x273: {  	s21 =	simm.s32 $0xEA00;
	v3 =	vperm.xlane v3, v2  }
0x274: {  	[tilespmem:s21], [sflag:$0x2] =	stream.indirect_vreg.gather [hbm4b:s5+s3], $0x80, v4, vm0, $0xb8;
	[tilespmem:$0x1C200] =	vst v63  }
0x275: {  	s13 =	simm.s32 $0xF200;
	v3 =	vadd.s32 v1, v3  }
0x276: {  	[tilespmem:s13], [sflag:$0x2] =	stream.indirect_vreg.gather [hbm4b:s6+s3], $0x80, v4, vm0, $0xb8;
	[tilespmem:$0x1C200] =	vst v63  }
0x277: {  	_ = 	snop  }
0x278: {  	[tilespmem:s11], [sflag:$0x2] =	stream.indirect_vreg.gather [hbm4b:s7+s3], $0x80, v4, vm0, $0xb8;
	[tilespmem:$0x1C200] =	vst v63  }
0x279: {  	s21 =	simm.s32 $0x10200  }
0x27a: {  	[tilespmem:s21], [sflag:$0x2] =	stream.indirect_vreg.gather [hbm4b:s2+s3], $0x80, v3, vm0, $0xb8;
	[tilespmem:$0x1C200] =	vst v63  }
0x27b: {  	s21 =	simm.s32 $0x10A00  }
0x27c: {  	[tilespmem:s21], [sflag:$0x2] =	stream.indirect_vreg.gather [hbm4b:s5+s3], $0x80, v3, vm0, $0xb8;
	[tilespmem:$0x1C200] =	vst v63  }
0x27d: {  	s21 =	simm.s32 $0x11200  }
0x27e: {  	[tilespmem:s21], [sflag:$0x2] =	stream.indirect_vreg.gather [hbm4b:s6+s3], $0x80, v3, vm0, $0xb8;
	[tilespmem:$0x1C200] =	vst v63  }
0x27f: {  	s21 =	simm.s32 $0x11A00  }
0x280: {  	[tilespmem:s21], [sflag:$0x2] =	stream.indirect_vreg.gather [hbm4b:s7+s3], $0x80, v3, vm0, $0xb8;
	[tilespmem:$0x1C200] =	vst v63  }
0x281: {  	v3 =	vld [tilespmem:$0x198];
	_ =	sdelay $0x4  }
0x282: {  	v56 =	vshll.u32 v3, $0x3  }
0x283: {  	v3 =	vand.u32 $0x7, v3;
	v4 =	vand.u32 $0xFFFFFFC0, v56  }
0x284: {  	v3 =	vor.u32 v3, v4  }
0x285: {  	v4 =	vperm.xlane v3, v0;
	_ =	sdelay $0x1  }
0x286: {  	v4 =	vadd.s32 v1, v4;
	_ =	sdelay $0x3  }
0x287: {  	s21 =	simm.s32 $0x12200  }
0x288: {  	[tilespmem:s21], [sflag:$0x2] =	stream.indirect_vreg.gather [hbm4b:s2+s3], $0x80, v4, vm0, $0xb8;
	[tilespmem:$0x1C200] =	vst v63  }
0x289: {  	v3 =	vperm.xlane v3, v2;
	s21 =	simm.s32 $0x12A00  }
0x28a: {  	[tilespmem:s21], [sflag:$0x2] =	stream.indirect_vreg.gather [hbm4b:s5+s3], $0x80, v4, vm0, $0xb8;
	[tilespmem:$0x1C200] =	vst v63  }
0x28b: {  	v3 =	vadd.s32 v1, v3;
	s21 =	simm.s32 $0x13200  }
0x28c: {  	[tilespmem:s21], [sflag:$0x2] =	stream.indirect_vreg.gather [hbm4b:s6+s3], $0x80, v4, vm0, $0xb8;
	[tilespmem:$0x1C200] =	vst v63  }
0x28d: {  	s21 =	simm.s32 $0x13A00  }
0x28e: {  	[tilespmem:s21], [sflag:$0x2] =	stream.indirect_vreg.gather [hbm4b:s7+s3], $0x80, v4, vm0, $0xb8;
	[tilespmem:$0x1C200] =	vst v63  }
0x28f: {  	s21 =	simm.s32 $0x14200  }
0x290: {  	[tilespmem:s21], [sflag:$0x2] =	stream.indirect_vreg.gather [hbm4b:s2+s3], $0x80, v3, vm0, $0xb8;
	[tilespmem:$0x1C200] =	vst v63  }
0x291: {  	s21 =	simm.s32 $0x14A00  }
0x292: {  	[tilespmem:s21], [sflag:$0x2] =	stream.indirect_vreg.gather [hbm4b:s5+s3], $0x80, v3, vm0, $0xb8;
	[tilespmem:$0x1C200] =	vst v63  }
0x293: {  	s21 =	simm.s32 $0x15200  }
0x294: {  	[tilespmem:s21], [sflag:$0x2] =	stream.indirect_vreg.gather [hbm4b:s6+s3], $0x80, v3, vm0, $0xb8;
	[tilespmem:$0x1C200] =	vst v63  }
0x295: {  	s21 =	simm.s32 $0x15A00  }
0x296: {  	[tilespmem:s21], [sflag:$0x2] =	stream.indirect_vreg.gather [hbm4b:s7+s3], $0x80, v3, vm0, $0xb8;
	[tilespmem:$0x1C200] =	vst v63  }
0x297: {  	v3 =	vld [tilespmem:$0x1A8];
	_ =	sdelay $0x4  }
0x298: {  	v57 =	vshll.u32 v3, $0x3  }
0x299: {  	v3 =	vand.u32 $0x7, v3;
	v4 =	vand.u32 $0xFFFFFFC0, v57  }
0x29a: {  	v3 =	vor.u32 v3, v4  }
0x29b: {  	v4 =	vperm.xlane v3, v0;
	_ =	sdelay $0x1  }
0x29c: {  	v4 =	vadd.s32 v1, v4;
	_ =	sdelay $0x3  }
0x29d: {  	s21 =	simm.s32 $0x16200  }
0x29e: {  	[tilespmem:s21], [sflag:$0x2] =	stream.indirect_vreg.gather [hbm4b:s2+s3], $0x80, v4, vm0, $0xb8;
	[tilespmem:$0x1C200] =	vst v63  }
0x29f: {  	v3 =	vperm.xlane v3, v2;
	s21 =	simm.s32 $0x16A00  }
0x2a0: {  	[tilespmem:s21], [sflag:$0x2] =	stream.indirect_vreg.gather [hbm4b:s5+s3], $0x80, v4, vm0, $0xb8;
	[tilespmem:$0x1C200] =	vst v63  }
0x2a1: {  	v3 =	vadd.s32 v1, v3;
	s21 =	simm.s32 $0x17200  }
0x2a2: {  	[tilespmem:s21], [sflag:$0x2] =	stream.indirect_vreg.gather [hbm4b:s6+s3], $0x80, v4, vm0, $0xb8;
	[tilespmem:$0x1C200] =	vst v63  }
0x2a3: {  	s21 =	simm.s32 $0x17A00  }
0x2a4: {  	[tilespmem:s21], [sflag:$0x2] =	stream.indirect_vreg.gather [hbm4b:s7+s3], $0x80, v4, vm0, $0xb8;
	[tilespmem:$0x1C200] =	vst v63  }
0x2a5: {  	s21 =	simm.s32 $0x18200  }
0x2a6: {  	[tilespmem:s21], [sflag:$0x2] =	stream.indirect_vreg.gather [hbm4b:s2+s3], $0x80, v3, vm0, $0xb8;
	[tilespmem:$0x1C200] =	vst v63  }
0x2a7: {  	s21 =	simm.s32 $0x18A00  }
0x2a8: {  	[tilespmem:s21], [sflag:$0x2] =	stream.indirect_vreg.gather [hbm4b:s5+s3], $0x80, v3, vm0, $0xb8;
	[tilespmem:$0x1C200] =	vst v63  }
0x2a9: {  	s21 =	simm.s32 $0x19200  }
0x2aa: {  	[tilespmem:s21], [sflag:$0x2] =	stream.indirect_vreg.gather [hbm4b:s6+s3], $0x80, v3, vm0, $0xb8;
	[tilespmem:$0x1C200] =	vst v63  }
0x2ab: {  	s21 =	simm.s32 $0x19A00  }
0x2ac: {  	[tilespmem:s21], [sflag:$0x2] =	stream.indirect_vreg.gather [hbm4b:s7+s3], $0x80, v3, vm0, $0xb8;
	[tilespmem:$0x1C200] =	vst v63  }
0x2ad: {  	v3 =	vld.msk [tilespmem:$0x1B8], $0xff;
	_ =	sdelay $0x4  }
0x2ae: {  	v58 =	vshll.u32 v3, $0x3  }
0x2af: {  	v3 =	vand.u32 $0x7, v3;
	v4 =	vand.u32 $0xFFFFFFC0, v58  }
0x2b0: {  	v3 =	vor.u32 v3, v4  }
0x2b1: {  	v3 =	vperm.xlane v3, v0;
	_ =	sdelay $0x1  }
0x2b2: {  	v3 =	vadd.s32 v1, v3;
	_ =	sdelay $0x3  }
0x2b3: {  	s21 =	simm.s32 $0x1A200  }
0x2b4: {  	[tilespmem:s21], [sflag:$0x2] =	stream.indirect_vreg.gather [hbm4b:s2+s3], $0x80, v3, vm0, $0xb8;
	[tilespmem:$0x1C200] =	vst v63  }
0x2b5: {  	s21 =	simm.s32 $0x1AA00  }
0x2b6: {  	[tilespmem:s21], [sflag:$0x2] =	stream.indirect_vreg.gather [hbm4b:s5+s3], $0x80, v3, vm0, $0xb8;
	[tilespmem:$0x1C200] =	vst v63  }
0x2b7: {  	s21 =	simm.s32 $0x1B200  }
0x2b8: {  	[tilespmem:s21], [sflag:$0x2] =	stream.indirect_vreg.gather [hbm4b:s6+s3], $0x80, v3, vm0, $0xb8;
	[tilespmem:$0x1C200] =	vst v63  }
0x2b9: {  	s21 =	simm.s32 $0x1BA00  }
0x2ba: {  	[tilespmem:s21], [sflag:$0x2] =	stream.indirect_vreg.gather [hbm4b:s7+s3], $0x80, v3, vm0, $0xb8;
	[tilespmem:$0x1C200] =	vst v63  }
0x2bb: {  	_ =	swait.ge [sflag:s19], $0xE000  }
0x2bc: {  	[sflag:s19] =	ssyncset.done $0x0  }
0x2bd: {  	s13 =	simm.s32 $0x200;
	s21 =	rddreg [dreg:$0xa];
	[sflag:s19] =	ssyncadd.s32 $0xFFFF2000  }
0x2be: {  	[hbm4b:s21+s3] =	stream.linear.scatter [tilespmem:s13], [sflag:$0x3], $0xE000, $0x38;
	[tilespmem:$0x1C200] =	vst v63  }
0x2bf: {  	_ =	swait.ge [sflag:s10], $0xE000  }
0x2c0: {  	[sflag:s10] =	ssyncset.done $0x0  }
0x2c1: {  	[sflag:s10] =	ssyncadd.s32 $0xFFFF2000  }
0x2c2: {  	v3 =	vld [tilespmem:$0x1C0];
	_ =	sdelay $0x4  }
0x2c3: {  	v59 =	vshll.u32 v3, $0x3  }
0x2c4: {  	v3 =	vand.u32 $0x7, v3;
	v4 =	vand.u32 $0xFFFFFFC0, v59  }
0x2c5: {  	v3 =	vor.u32 v3, v4  }
0x2c6: {  	v4 =	vperm.xlane v3, v0;
	_ =	sdelay $0x1  }
0x2c7: {  	v4 =	vadd.s32 v1, v4;
	_ =	sdelay $0x4  }
0x2c8: {  	[tilespmem:s13], [sflag:$0x1] =	stream.indirect_vreg.gather [hbm4b:s2+s3], $0x80, v4, vm0, $0xb8;
	[tilespmem:$0x1C200] =	vst v63  }
0x2c9: {  	s22 =	simm.s32 $0xA00;
	v3 =	vperm.xlane v3, v2  }
0x2ca: {  	[tilespmem:s22], [sflag:$0x1] =	stream.indirect_vreg.gather [hbm4b:s5+s3], $0x80, v4, vm0, $0xb8;
	[tilespmem:$0x1C200] =	vst v63  }
0x2cb: {  	s31 =	simm.s32 $0x1200;
	v3 =	vadd.s32 v1, v3  }
0x2cc: {  	[tilespmem:s31], [sflag:$0x1] =	stream.indirect_vreg.gather [hbm4b:s6+s3], $0x80, v4, vm0, $0xb8;
	[tilespmem:$0x1C200] =	vst v63  }
0x2cd: {  	s17 =	simm.s32 $0x1A00  }
0x2ce: {  	[tilespmem:s17], [sflag:$0x1] =	stream.indirect_vreg.gather [hbm4b:s7+s3], $0x80, v4, vm0, $0xb8;
	[tilespmem:$0x1C200] =	vst v63  }
0x2cf: {  	_ = 	snop  }
0x2d0: {  	[tilespmem:s4], [sflag:$0x1] =	stream.indirect_vreg.gather [hbm4b:s2+s3], $0x80, v3, vm0, $0xb8;
	[tilespmem:$0x1C200] =	vst v63  }
0x2d1: {  	s23 =	simm.s32 $0x2A00  }
0x2d2: {  	[tilespmem:s23], [sflag:$0x1] =	stream.indirect_vreg.gather [hbm4b:s5+s3], $0x80, v3, vm0, $0xb8;
	[tilespmem:$0x1C200] =	vst v63  }
0x2d3: {  	s24 =	simm.s32 $0x3200  }
0x2d4: {  	[tilespmem:s24], [sflag:$0x1] =	stream.indirect_vreg.gather [hbm4b:s6+s3], $0x80, v3, vm0, $0xb8;
	[tilespmem:$0x1C200] =	vst v63  }
0x2d5: {  	s25 =	simm.s32 $0x3A00  }
0x2d6: {  	[tilespmem:s25], [sflag:$0x1] =	stream.indirect_vreg.gather [hbm4b:s7+s3], $0x80, v3, vm0, $0xb8;
	[tilespmem:$0x1C200] =	vst v63  }
0x2d7: {  	v3 =	vld [tilespmem:$0x1D0];
	_ =	sdelay $0x4  }
0x2d8: {  	v60 =	vshll.u32 v3, $0x3  }
0x2d9: {  	v3 =	vand.u32 $0x7, v3;
	v4 =	vand.u32 $0xFFFFFFC0, v60  }
0x2da: {  	v3 =	vor.u32 v3, v4  }
0x2db: {  	v4 =	vperm.xlane v3, v0;
	_ =	sdelay $0x1  }
0x2dc: {  	v4 =	vadd.s32 v1, v4;
	_ =	sdelay $0x3  }
0x2dd: {  	s29 =	simm.s32 $0x4200  }
0x2de: {  	[tilespmem:s29], [sflag:$0x1] =	stream.indirect_vreg.gather [hbm4b:s2+s3], $0x80, v4, vm0, $0xb8;
	[tilespmem:$0x1C200] =	vst v63  }
0x2df: {  	s26 =	simm.s32 $0x4A00;
	v3 =	vperm.xlane v3, v2  }
0x2e0: {  	[tilespmem:s26], [sflag:$0x1] =	stream.indirect_vreg.gather [hbm4b:s5+s3], $0x80, v4, vm0, $0xb8;
	[tilespmem:$0x1C200] =	vst v63  }
0x2e1: {  	v3 =	vadd.s32 v1, v3  }
0x2e2: {  	[tilespmem:s15], [sflag:$0x1] =	stream.indirect_vreg.gather [hbm4b:s6+s3], $0x80, v4, vm0, $0xb8;
	[tilespmem:$0x1C200] =	vst v63  }
0x2e3: {  	_ = 	snop  }
0x2e4: {  	[tilespmem:s12], [sflag:$0x1] =	stream.indirect_vreg.gather [hbm4b:s7+s3], $0x80, v4, vm0, $0xb8;
	[tilespmem:$0x1C200] =	vst v63  }
0x2e5: {  	s28 =	simm.s32 $0x6200  }
0x2e6: {  	[tilespmem:s28], [sflag:$0x1] =	stream.indirect_vreg.gather [hbm4b:s2+s3], $0x80, v3, vm0, $0xb8;
	[tilespmem:$0x1C200] =	vst v63  }
0x2e7: {  	_ = 	snop  }
0x2e8: {  	[tilespmem:s0], [sflag:$0x1] =	stream.indirect_vreg.gather [hbm4b:s5+s3], $0x80, v3, vm0, $0xb8;
	[tilespmem:$0x1C200] =	vst v63  }
0x2e9: {  	s30 =	simm.s32 $0x7200  }
0x2ea: {  	[tilespmem:s30], [sflag:$0x1] =	stream.indirect_vreg.gather [hbm4b:s6+s3], $0x80, v3, vm0, $0xb8;
	[tilespmem:$0x1C200] =	vst v63  }
0x2eb: {  	s12 =	simm.s32 $0x7A00  }
0x2ec: {  	[tilespmem:s12], [sflag:$0x1] =	stream.indirect_vreg.gather [hbm4b:s7+s3], $0x80, v3, vm0, $0xb8;
	[tilespmem:$0x1C200] =	vst v63  }
0x2ed: {  	v3 =	vld [tilespmem:$0x1E0];
	_ =	sdelay $0x4  }
0x2ee: {  	v61 =	vshll.u32 v3, $0x3  }
0x2ef: {  	v3 =	vand.u32 $0x7, v3;
	v4 =	vand.u32 $0xFFFFFFC0, v61  }
0x2f0: {  	v3 =	vor.u32 v3, v4  }
0x2f1: {  	v4 =	vperm.xlane v3, v0;
	_ =	sdelay $0x1  }
0x2f2: {  	v4 =	vadd.s32 v1, v4;
	_ =	sdelay $0x3  }
0x2f3: {  	s16 =	simm.s32 $0x8200  }
0x2f4: {  	[tilespmem:s16], [sflag:$0x1] =	stream.indirect_vreg.gather [hbm4b:s2+s3], $0x80, v4, vm0, $0xb8;
	[tilespmem:$0x1C200] =	vst v63  }
0x2f5: {  	s15 =	simm.s32 $0x8A00;
	v3 =	vperm.xlane v3, v2  }
0x2f6: {  	[tilespmem:s15], [sflag:$0x1] =	stream.indirect_vreg.gather [hbm4b:s5+s3], $0x80, v4, vm0, $0xb8;
	[tilespmem:$0x1C200] =	vst v63  }
0x2f7: {  	v3 =	vadd.s32 v1, v3;
	s16 =	simm.s32 $0x9200  }
0x2f8: {  	[tilespmem:s16], [sflag:$0x1] =	stream.indirect_vreg.gather [hbm4b:s6+s3], $0x80, v4, vm0, $0xb8;
	[tilespmem:$0x1C200] =	vst v63  }
0x2f9: {  	s17 =	simm.s32 $0x9A00  }
0x2fa: {  	[tilespmem:s17], [sflag:$0x1] =	stream.indirect_vreg.gather [hbm4b:s7+s3], $0x80, v4, vm0, $0xb8;
	[tilespmem:$0x1C200] =	vst v63  }
0x2fb: {  	s21 =	simm.s32 $0xA200  }
0x2fc: {  	[tilespmem:s21], [sflag:$0x1] =	stream.indirect_vreg.gather [hbm4b:s2+s3], $0x80, v3, vm0, $0xb8;
	[tilespmem:$0x1C200] =	vst v63  }
0x2fd: {  	s22 =	simm.s32 $0xAA00  }
0x2fe: {  	[tilespmem:s22], [sflag:$0x1] =	stream.indirect_vreg.gather [hbm4b:s5+s3], $0x80, v3, vm0, $0xb8;
	[tilespmem:$0x1C200] =	vst v63  }
0x2ff: {  	s23 =	simm.s32 $0xB200  }
0x300: {  	[tilespmem:s23], [sflag:$0x1] =	stream.indirect_vreg.gather [hbm4b:s6+s3], $0x80, v3, vm0, $0xb8;
	[tilespmem:$0x1C200] =	vst v63  }
0x301: {  	s18 =	simm.s32 $0xBA00  }
0x302: {  	[tilespmem:s18], [sflag:$0x1] =	stream.indirect_vreg.gather [hbm4b:s7+s3], $0x80, v3, vm0, $0xb8;
	[tilespmem:$0x1C200] =	vst v63  }
0x303: {  	v3 =	vld.msk [tilespmem:$0x1F0], $0xff;
	_ =	sdelay $0x4  }
0x304: {  	v62 =	vshll.u32 v3, $0x3  }
0x305: {  	v3 =	vand.u32 $0x7, v3;
	v4 =	vand.u32 $0xFFFFFFC0, v62  }
0x306: {  	v3 =	vor.u32 v3, v4  }
0x307: {  	v3 =	vperm.xlane v3, v0;
	_ =	sdelay $0x1  }
0x308: {  	v3 =	vadd.s32 v1, v3;
	_ =	sdelay $0x3  }
0x309: {  	s24 =	simm.s32 $0xC200  }
0x30a: {  	[tilespmem:s24], [sflag:$0x1] =	stream.indirect_vreg.gather [hbm4b:s2+s3], $0x80, v3, vm0, $0xb8;
	[tilespmem:$0x1C200] =	vst v63  }
0x30b: {  	s25 =	simm.s32 $0xCA00  }
0x30c: {  	[tilespmem:s25], [sflag:$0x1] =	stream.indirect_vreg.gather [hbm4b:s5+s3], $0x80, v3, vm0, $0xb8;
	[tilespmem:$0x1C200] =	vst v63  }
0x30d: {  	s26 =	simm.s32 $0xD200  }
0x30e: {  	[tilespmem:s26], [sflag:$0x1] =	stream.indirect_vreg.gather [hbm4b:s6+s3], $0x80, v3, vm0, $0xb8;
	[tilespmem:$0x1C200] =	vst v63  }
0x30f: {  	s28 =	simm.s32 $0xDA00  }
0x310: {  	[tilespmem:s28], [sflag:$0x1] =	stream.indirect_vreg.gather [hbm4b:s7+s3], $0x80, v3, vm0, $0xb8;
	[tilespmem:$0x1C200] =	vst v63  }
0x311: {  	_ =	swait.ge [sflag:s20], $0xE000  }
0x312: {  	[sflag:s20] =	ssyncset.done $0x0  }
0x313: {  	s29 =	rddreg [dreg:$0xb];
	[sflag:s20] =	ssyncadd.s32 $0xFFFF2000  }
0x314: {  	[hbm4b:s29+s3] =	stream.linear.scatter [tilespmem:s9], [sflag:$0x3], $0xE000, $0x38;
	[tilespmem:$0x1C200] =	vst v63  }
0x315: {  	_ =	swait.ge [sflag:s10], $0xE000  }
0x316: {  	[sflag:s10] =	ssyncset.done $0x0  }
0x317: {  	[sflag:s10] =	ssyncadd.s32 $0xFFFF2000  }
0x318: {  	v3 =	vld.msk [tilespmem:$0x1F8], $0xff;
	_ =	sdelay $0x4  }
0x319: {  	v63 =	vshll.u32 v3, $0x3  }
0x31a: {  	v3 =	vand.u32 $0x7, v3;
	v4 =	vand.u32 $0xFFFFFFC0, v63  }
0x31b: {  	v3 =	vor.u32 v3, v4  }
0x31c: {  	v3 =	vperm.xlane v3, v0;
	_ =	sdelay $0x1  }
0x31d: {  	v3 =	vadd.s32 v1, v3;
	_ =	sdelay $0x4  }
0x31e: {  	[tilespmem:s9], [sflag:$0x2] =	stream.indirect_vreg.gather [hbm4b:s2+s3], $0x80, v3, vm0, $0xb8;
	[tilespmem:$0x1C200] =	vst v63  }
0x31f: {  	s14 =	simm.s32 $0xEA00  }
0x320: {  	[tilespmem:s14], [sflag:$0x2] =	stream.indirect_vreg.gather [hbm4b:s5+s3], $0x80, v3, vm0, $0xb8;
	[tilespmem:$0x1C200] =	vst v63  }
0x321: {  	s1 =	simm.s32 $0xF200  }
0x322: {  	[tilespmem:s1], [sflag:$0x2] =	stream.indirect_vreg.gather [hbm4b:s6+s3], $0x80, v3, vm0, $0xb8;
	[tilespmem:$0x1C200] =	vst v63  }
0x323: {  	s11 =	simm.s32 $0xFA00  }
0x324: {  	[tilespmem:s11], [sflag:$0x2] =	stream.indirect_vreg.gather [hbm4b:s7+s3], $0x80, v3, vm0, $0xb8;
	[tilespmem:$0x1C200] =	vst v63  }
0x325: {  	_ =	swait.ge [sflag:s19], $0xE000  }
0x326: {  	[sflag:s19] =	ssyncset.done $0x0  }
0x327: {  	s13 =	simm.s32 $0x200;
	s30 =	rddreg [dreg:$0xc];
	[sflag:s19] =	ssyncadd.s32 $0xFFFF2000  }
0x328: {  	[hbm4b:s30+s3] =	stream.linear.scatter [tilespmem:s13], [sflag:$0x3], $0xE000, $0x38;
	[tilespmem:$0x1C200] =	vst v63  }
0x329: {  	_ =	swait.ge [sflag:s10], $0xE000  }
0x32a: {  	[sflag:s10] =	ssyncset.done $0x0  }
0x32b: {  	[sflag:s10] =	ssyncadd.s32 $0xFFFF2000  }
0x32c: {  	_ =	swait.ge [sflag:s20], $0x2000  }
0x32d: {  	p0 =	sne.s32 s8, $0x1;
	[sflag:s20] =	ssyncset.done $0x0  }
.Ltmp0:
0x32e: {  	s31 =	rddreg [dreg:$0xd];
	[sflag:s20] =	ssyncadd.s32 $0xFFFFE000;
	(pc) =	sbr.rel @p0 .LBB2_1-.Ltmp0, $4  }
0x32f: {  	[hbm4b:s31+s3] =	stream.linear.scatter [tilespmem:s9], [sflag:$0x3], $0x2000, $0x38;
	[tilespmem:$0x1C200] =	vst v63  }
0x330: {  	_ =	swait.ge [sflag:s10], $0x2000  }
0x331: {  	[sflag:s10] =	ssyncset.done $0x0  }
0x332: {  	s8 =	sadd.s32 $0xFFFFFFFF, s8;
	[sflag:s10] =	ssyncadd.s32 $0xFFFFE000  }
0x333: {  	_ =	sfence.sel $0x180000  }
0x334: {  	[bflag:$0x0] =	sbarrier.arrive $0xFFFF  }
0x335: {  	_ =	strace $0x90000047  }
0x336: {  	s0 =	stileid.u32;
	[bflag:$0x2] =	sbarrier.arrive $0xFFFF  }
0x337: {  	p0 =	sne.s32 s0, $0x0;
	s0 =	rddreg [dreg:$0x3]  }
0x338: {  	s0 =	sadd.s32 @!p0 $0x100000, s0  }
0x339: {  	[sflag:s0] =	ssyncadd.tile.s32 @!p0 $0x1;
	_ =	shalt  }
.Lfunc_end2:
_tile_overlayer_lowered:
.L_overlay_start_2:
0x33a: {  	(tag) =	ssettag $0x2  }
0x33b: {  	s0 =	rddreg [dreg:$0x0];
	s2 =	stileid.u32  }
0x33c: {  	s1 =	rddreg [dreg:$0x1];
	p0 =	sne.s32 s2, $0x0  }
0x33d: {  	s3 =	rddreg [dreg:$0x2];
	[bflag:$0x3] =	sbarrier.arrive $0xFFFF;
	s2 =	simm.s32 @!p0 $0x1C03  }
0x33e: {  	[timem:s3], [sflag:s2] =	dma.local @!p0 [hbm:s0], s1  }
0x33f: {  	s0 =	simm.s32 @!p0 $0x3  }
0x340: {  	_ =	swait.ge @!p0 [sflag:s0], s1  }
0x341: {  	s1 =	ssub.s32 @!p0 $0x0, s1;
	[sflag:s0] =	ssyncset.done @!p0 $0x0  }
0x342: {  	[sflag:s0] =	ssyncadd.s32 @!p0 s1  }
0x343: {  	[bflag:$0x3] =	sbarrier.arrive $0xFFFF  }
0x344: {  	_ =	shalt  }

</sc_bundles>
